<compile_context>
chip_gen: v7x
topology: tpu7x:2x2x1
jax: 0.10.2.dev20260603
libtpu: 0.0.44.dev20260713+nightly
codegen_flags: <defaults>
</compile_context>

<pallas_src>
import functools

import jax
import jax.numpy as jnp
from jax import lax
from jax.experimental import pallas as pl
from jax.experimental.pallas import tpu as pltpu
from jax.experimental.pallas import tpu_sc as plsc

NC = 2
NS = 16
LN = 16
NW = NC * NS

SUB = 128
CHB = 2
CH = SUB * CHB
NBUF = 4
PITCH = 128
WDP = 64


def _build(N, D, WD, PD, PV, per_w, n_chunks):
  mesh = plsc.VectorSubcoreMesh(
      core_axis_name="c", subcore_axis_name="s", num_cores=NC,
      num_subcores=NS)

  @functools.partial(
      pl.kernel,
      out_type=jax.ShapeDtypeStruct((N, PITCH), jnp.float32),
      mesh=mesh,
      compiler_params=pltpu.CompilerParams(
          needs_layout_passes=False, use_tc_tiling_on_sc=False),
      scratch_types=[
          [pltpu.VMEM((CH,), jnp.int32)] * NBUF,
          [pltpu.VMEM((CH,), jnp.int32)] * NBUF,
          [pltpu.VMEM((CH,), jnp.int32)] * NBUF,
          [pltpu.VMEM((CH, WDP), jnp.float32)] * NBUF,
          pltpu.VMEM((PV * PD,), jnp.float32),
          pltpu.VMEM((PV * PD,), jnp.float32),
          [pltpu.SemaphoreType.DMA] * NBUF,
          [pltpu.SemaphoreType.DMA] * NBUF,
          [pltpu.SemaphoreType.DMA] * NBUF,
      ],
  )
  def k(wf_h, p1_h, p2_h, wt_h, p1t_h, p2t_h, out_h,
        widx, p1i, p2i, outv, p1t, p2t, gsem, wsem, isem):
    wid = lax.axis_index("s") * NC + lax.axis_index("c")
    base = wid * per_w
    pltpu.sync_copy(p1t_h, p1t)
    pltpu.sync_copy(p2t_h, p2t)
    lane = lax.iota(jnp.int32, 16)

    def fire_idx(c, b):
      row0 = base + c * CH
      pltpu.async_copy(wf_h.at[pl.ds(row0, CH)], widx[b], isem[b])
      pltpu.async_copy(p1_h.at[pl.ds(row0, CH)], p1i[b], isem[b])
      pltpu.async_copy(p2_h.at[pl.ds(row0, CH)], p2i[b], isem[b])

    def wait_idx(b):
      pltpu.make_async_copy(wf_h.at[pl.ds(0, CH)], widx[b], isem[b]).wait()
      pltpu.make_async_copy(wf_h.at[pl.ds(0, CH)], p1i[b], isem[b]).wait()
      pltpu.make_async_copy(wf_h.at[pl.ds(0, CH)], p2i[b], isem[b]).wait()

    def fire_gathers(b):
      for bb in range(CHB):
        pltpu.async_copy(
            wt_h.at[widx[b].at[pl.ds(bb * SUB, SUB)]],
            outv[b].at[pl.ds(bb * SUB, SUB), :], gsem[b])

    def drain_gathers(b):
      pltpu.make_async_copy(
          wt_h.at[pl.ds(0, CH), :], outv[b], gsem[b]).wait()

    def fire_writeout(c, b):
      row0 = base + c * CH
      pltpu.async_copy(
          outv[b], out_h.at[pl.ds(row0, CH), pl.ds(0, WDP)], wsem[b])

    def drain_writeout(b):
      pltpu.make_async_copy(
          out_h.at[pl.ds(0, CH), pl.ds(0, WDP)], outv[b], wsem[b]).wait()

    def pos_compute(b):
      @pl.loop(0, CH // LN)
      def _pos(g):
        rows = g * LN + lane
        i1 = p1i[b][pl.ds(g * LN, LN)] * PD
        i2 = p2i[b][pl.ds(g * LN, LN)] * PD
        for j in range(PD):
          v1 = plsc.load_gather(p1t, [i1 + j])
          plsc.store_scatter(
              outv[b], [rows, jnp.full((LN,), WD + j, jnp.int32)], v1)
          v2 = plsc.load_gather(p2t, [i2 + j])
          plsc.store_scatter(
              outv[b], [rows, jnp.full((LN,), WD + PD + j, jnp.int32)], v2)

    for c0 in range(NBUF):
      fire_idx(c0, c0)
    for c0 in range(NBUF - 1):
      wait_idx(c0)
      fire_gathers(c0)

    n_main = (n_chunks // NBUF) * NBUF

    def step(c, b):
      drain_gathers(b)
      pos_compute(b)
      fire_writeout(c, b)

      @pl.when(c + NBUF < n_chunks)
      def _():
        fire_idx(c + NBUF, b)

      b2 = (b + NBUF - 1) % NBUF

      @pl.when(c + NBUF - 1 < n_chunks)
      def _():
        @pl.when(c >= 1)
        def _():
          drain_writeout(b2)

        wait_idx(b2)
        fire_gathers(b2)

    @pl.loop(0, n_main, step=NBUF)
    def _outer(g):
      for b in range(NBUF):
        step(g + b, b)

    for c in range(n_main, n_chunks):
      step(c, c % NBUF)

    for c in range(n_chunks - NBUF, n_chunks):
      drain_writeout(c % NBUF)

  return k


def kernel(word, pos1, pos2, word_table, pos1_table, pos2_table):
  B, L = word.shape
  V, WD = word_table.shape
  PV, PD = pos1_table.shape
  D = WD + 2 * PD
  N = B * L
  assert N % (NW * CH) == 0
  per_w = N // NW
  n_chunks = per_w // CH
  assert n_chunks >= NBUF

  wf = word.reshape(N).astype(jnp.int32)
  p1f = pos1.reshape(N).astype(jnp.int32)
  p2f = pos2.reshape(N).astype(jnp.int32)
  p1t = pos1_table.reshape(PV * PD)
  p2t = pos2_table.reshape(PV * PD)

  wt_pad = jnp.pad(word_table, ((0, 0), (0, WDP - WD)))

  k = _build(N, D, WD, PD, PV, per_w, n_chunks)
  out = k(wf, p1f, p2f, wt_pad, p1t, p2t)
  return out.reshape(B, L, PITCH)[:, :, :D]

# --- scband reference (transcript-rebuilt; emitter-appended) ---
"""Pipeline reference for scband-embedding-72035191489144 (READ-ONLY COPY).

The authoritative reference and input builder live on the scoring server;
editing this copy changes nothing except your own understanding.
"""

import jax, jax.numpy as jnp
import numpy as np

VOCAB = 100000
WORD_DIM = 50
POS_DIM = 5
MAX_LEN = 200
POS_VOCAB = 2 * MAX_LEN
B, L = 4096, 200


def setup_inputs(seed: int = 0) -> dict:
    key = jax.random.key(seed)
    k1, k2, k3, k4, k5, k6 = jax.random.split(key, 6)
    word = jax.random.randint(k1, (B, L), 0, VOCAB, dtype=jnp.int64 if jax.config.jax_enable_x64 else jnp.int32)
    pos1 = jax.random.randint(k2, (B, L), 0, POS_VOCAB, dtype=jnp.int32)
    pos2 = jax.random.randint(k3, (B, L), 0, POS_VOCAB, dtype=jnp.int32)
    # word embedding table: normalized rows, padding row (last index) zeroed
    word_table = jax.random.uniform(k4, (VOCAB, WORD_DIM), minval=-0.1, maxval=0.1, dtype=jnp.float32)
    word_table = word_table / jnp.sqrt(jnp.sum(word_table * word_table, axis=-1, keepdims=True))
    word_table = word_table.at[VOCAB - 1].set(0.0)  # padding_idx = vocab-1
    pos1_table = jax.random.normal(k5, (POS_VOCAB, POS_DIM), dtype=jnp.float32)
    pos1_table = pos1_table.at[0].set(0.0)  # padding_idx = 0
    pos2_table = jax.random.normal(k6, (POS_VOCAB, POS_DIM), dtype=jnp.float32)
    pos2_table = pos2_table.at[0].set(0.0)  # padding_idx = 0
    return {"word": word, "pos1": pos1, "pos2": pos2,
            "word_table": word_table, "pos1_table": pos1_table, "pos2_table": pos2_table}


def reference(word, pos1, pos2, word_table, pos1_table, pos2_table):
    we = jnp.take(word_table, word, axis=0)   # [B, L, WORD_DIM]
    p1 = jnp.take(pos1_table, pos1, axis=0)   # [B, L, POS_DIM]
    p2 = jnp.take(pos2_table, pos2, axis=0)   # [B, L, POS_DIM]
    x = jnp.concatenate([we, p1, p2], axis=2)  # [B, L, WORD_DIM + 2*POS_DIM]
    return x

if __name__ == "__main__":
    import jax
    _d = setup_inputs()
    print(jax.jit(kernel)(*tuple(_d.values())))

</pallas_src>

<mosaic_0001>
#map = affine_map<(d0, d1) -> (0)>
#map1 = affine_map<(d0, d1) -> (0, 0)>
module attributes {stable_mosaic.version = 14 : i64} {
  func.func @k(%arg0: i32, %arg1: i32, %arg2: memref<819200xi32, #tpu.memory_space<hbm>>, %arg3: memref<819200xi32, #tpu.memory_space<hbm>>, %arg4: memref<819200xi32, #tpu.memory_space<hbm>>, %arg5: memref<100000x64xf32, #tpu.memory_space<hbm>>, %arg6: memref<2000xf32, #tpu.memory_space<hbm>>, %arg7: memref<2000xf32, #tpu.memory_space<hbm>>, %arg8: memref<819200x128xf32, #tpu.memory_space<hbm>>, %arg9: memref<256xi32, #tpu.memory_space<vmem>>, %arg10: memref<256xi32, #tpu.memory_space<vmem>>, %arg11: memref<256xi32, #tpu.memory_space<vmem>>, %arg12: memref<256xi32, #tpu.memory_space<vmem>>, %arg13: memref<256xi32, #tpu.memory_space<vmem>>, %arg14: memref<256xi32, #tpu.memory_space<vmem>>, %arg15: memref<256xi32, #tpu.memory_space<vmem>>, %arg16: memref<256xi32, #tpu.memory_space<vmem>>, %arg17: memref<256xi32, #tpu.memory_space<vmem>>, %arg18: memref<256xi32, #tpu.memory_space<vmem>>, %arg19: memref<256xi32, #tpu.memory_space<vmem>>, %arg20: memref<256xi32, #tpu.memory_space<vmem>>, %arg21: memref<256x64xf32, #tpu.memory_space<vmem>>, %arg22: memref<256x64xf32, #tpu.memory_space<vmem>>, %arg23: memref<256x64xf32, #tpu.memory_space<vmem>>, %arg24: memref<256x64xf32, #tpu.memory_space<vmem>>, %arg25: memref<2000xf32, #tpu.memory_space<vmem>>, %arg26: memref<2000xf32, #tpu.memory_space<vmem>>, %arg27: memref<!tpu.dma_semaphore, #tpu.memory_space<semaphore_mem>>, %arg28: memref<!tpu.dma_semaphore, #tpu.memory_space<semaphore_mem>>, %arg29: memref<!tpu.dma_semaphore, #tpu.memory_space<semaphore_mem>>, %arg30: memref<!tpu.dma_semaphore, #tpu.memory_space<semaphore_mem>>, %arg31: memref<!tpu.dma_semaphore, #tpu.memory_space<semaphore_mem>>, %arg32: memref<!tpu.dma_semaphore, #tpu.memory_space<semaphore_mem>>, %arg33: memref<!tpu.dma_semaphore, #tpu.memory_space<semaphore_mem>>, %arg34: memref<!tpu.dma_semaphore, #tpu.memory_space<semaphore_mem>>, %arg35: memref<!tpu.dma_semaphore, #tpu.memory_space<semaphore_mem>>, %arg36: memref<!tpu.dma_semaphore, #tpu.memory_space<semaphore_mem>>, %arg37: memref<!tpu.dma_semaphore, #tpu.memory_space<semaphore_mem>>, %arg38: memref<!tpu.dma_semaphore, #tpu.memory_space<semaphore_mem>>) attributes {dimension_semantics = [#tpu.dimension_semantics<core_parallel>, #tpu.dimension_semantics<subcore_parallel>], iteration_bounds = array<i64: 2, 16>, scalar_prefetch = 0 : i64, scratch_operands = 30 : i64, tpu.core_type = #tpu.core_type<sc_vector_subcore>, window_params = [{transform_indices = #map}, {transform_indices = #map}, {transform_indices = #map}, {transform_indices = #map1}, {transform_indices = #map}, {transform_indices = #map}, {transform_indices = #map1}]} {
    %mul3A = arith.constant 2 : i32
    %mul3A_0 = arith.muli %arg1, %mul3A : i32
    %add3A = arith.addi %mul3A_0, %arg0 : i32
    %mul3A_1 = arith.constant 25600 : i32
    %mul3A_2 = arith.muli %add3A, %mul3A_1 : i32
    "tpu.region"() ({
      %run_scoped3A = tpu.sem_alloc : memref<!tpu.dma_semaphore, #tpu.memory_space<semaphore_mem>>
      tpu.enqueue_dma source(%arg6 : memref<2000xf32, #tpu.memory_space<hbm>>) target(%arg25 : memref<2000xf32, #tpu.memory_space<vmem>>) target_semaphore(%run_scoped3A : memref<!tpu.dma_semaphore, #tpu.memory_space<semaphore_mem>>)
      tpu.wait_dma2 semaphore(%run_scoped3A : memref<!tpu.dma_semaphore, #tpu.memory_space<semaphore_mem>>) src(%arg6 : memref<2000xf32, #tpu.memory_space<hbm>>) dst(%arg25 : memref<2000xf32, #tpu.memory_space<vmem>>)
      tpu.yield
    }) : () -> ()
    "tpu.region"() ({
      %run_scoped3A = tpu.sem_alloc : memref<!tpu.dma_semaphore, #tpu.memory_space<semaphore_mem>>
      tpu.enqueue_dma source(%arg7 : memref<2000xf32, #tpu.memory_space<hbm>>) target(%arg26 : memref<2000xf32, #tpu.memory_space<vmem>>) target_semaphore(%run_scoped3A : memref<!tpu.dma_semaphore, #tpu.memory_space<semaphore_mem>>)
      tpu.wait_dma2 semaphore(%run_scoped3A : memref<!tpu.dma_semaphore, #tpu.memory_space<semaphore_mem>>) src(%arg7 : memref<2000xf32, #tpu.memory_space<hbm>>) dst(%arg26 : memref<2000xf32, #tpu.memory_space<vmem>>)
      tpu.yield
    }) : () -> ()
    %iota3A = tpu.iota {dimensions = array<i32: 0>} : vector<16xi32>
    %add3A_3 = arith.constant 0 : i32
    %add3A_4 = arith.addi %mul3A_2, %add3A_3 : i32
    %dma_start3A = tpu.memref_slice %arg2[%add3A_4] : memref<819200xi32, #tpu.memory_space<hbm>> -> memref<256xi32, #tpu.memory_space<hbm>>
    %dma_start3A_5 = tpu.memref_slice %arg2[%add3A_4] : memref<819200xi32, #tpu.memory_space<hbm>> -> memref<256xi32, #tpu.memory_space<hbm>>
    tpu.enqueue_dma source(%dma_start3A_5 : memref<256xi32, #tpu.memory_space<hbm>>) target(%arg9 : memref<256xi32, #tpu.memory_space<vmem>>) target_semaphore(%arg35 : memref<!tpu.dma_semaphore, #tpu.memory_space<semaphore_mem>>)
    %dma_start3A_6 = tpu.memref_slice %arg3[%add3A_4] : memref<819200xi32, #tpu.memory_space<hbm>> -> memref<256xi32, #tpu.memory_space<hbm>>
    %dma_start3A_7 = tpu.memref_slice %arg3[%add3A_4] : memref<819200xi32, #tpu.memory_space<hbm>> -> memref<256xi32, #tpu.memory_space<hbm>>
    tpu.enqueue_dma source(%dma_start3A_7 : memref<256xi32, #tpu.memory_space<hbm>>) target(%arg13 : memref<256xi32, #tpu.memory_space<vmem>>) target_semaphore(%arg35 : memref<!tpu.dma_semaphore, #tpu.memory_space<semaphore_mem>>)
    %dma_start3A_8 = tpu.memref_slice %arg4[%add3A_4] : memref<819200xi32, #tpu.memory_space<hbm>> -> memref<256xi32, #tpu.memory_space<hbm>>
    %dma_start3A_9 = tpu.memref_slice %arg4[%add3A_4] : memref<819200xi32, #tpu.memory_space<hbm>> -> memref<256xi32, #tpu.memory_space<hbm>>
    tpu.enqueue_dma source(%dma_start3A_9 : memref<256xi32, #tpu.memory_space<hbm>>) target(%arg17 : memref<256xi32, #tpu.memory_space<vmem>>) target_semaphore(%arg35 : memref<!tpu.dma_semaphore, #tpu.memory_space<semaphore_mem>>)
    %add3A_10 = arith.constant 256 : i32
    %add3A_11 = arith.addi %mul3A_2, %add3A_10 : i32
    %dma_start3A_12 = tpu.memref_slice %arg2[%add3A_11] : memref<819200xi32, #tpu.memory_space<hbm>> -> memref<256xi32, #tpu.memory_space<hbm>>
    %dma_start3A_13 = tpu.memref_slice %arg2[%add3A_11] : memref<819200xi32, #tpu.memory_space<hbm>> -> memref<256xi32, #tpu.memory_space<hbm>>
    tpu.enqueue_dma source(%dma_start3A_13 : memref<256xi32, #tpu.memory_space<hbm>>) target(%arg10 : memref<256xi32, #tpu.memory_space<vmem>>) target_semaphore(%arg36 : memref<!tpu.dma_semaphore, #tpu.memory_space<semaphore_mem>>)
    %dma_start3A_14 = tpu.memref_slice %arg3[%add3A_11] : memref<819200xi32, #tpu.memory_space<hbm>> -> memref<256xi32, #tpu.memory_space<hbm>>
    %dma_start3A_15 = tpu.memref_slice %arg3[%add3A_11] : memref<819200xi32, #tpu.memory_space<hbm>> -> memref<256xi32, #tpu.memory_space<hbm>>
    tpu.enqueue_dma source(%dma_start3A_15 : memref<256xi32, #tpu.memory_space<hbm>>) target(%arg14 : memref<256xi32, #tpu.memory_space<vmem>>) target_semaphore(%arg36 : memref<!tpu.dma_semaphore, #tpu.memory_space<semaphore_mem>>)
    %dma_start3A_16 = tpu.memref_slice %arg4[%add3A_11] : memref<819200xi32, #tpu.memory_space<hbm>> -> memref<256xi32, #tpu.memory_space<hbm>>
    %dma_start3A_17 = tpu.memref_slice %arg4[%add3A_11] : memref<819200xi32, #tpu.memory_space<hbm>> -> memref<256xi32, #tpu.memory_space<hbm>>
    tpu.enqueue_dma source(%dma_start3A_17 : memref<256xi32, #tpu.memory_space<hbm>>) target(%arg18 : memref<256xi32, #tpu.memory_space<vmem>>) target_semaphore(%arg36 : memref<!tpu.dma_semaphore, #tpu.memory_space<semaphore_mem>>)
    %add3A_18 = arith.constant 512 : i32
    %add3A_19 = arith.addi %mul3A_2, %add3A_18 : i32
    %dma_start3A_20 = tpu.memref_slice %arg2[%add3A_19] : memref<819200xi32, #tpu.memory_space<hbm>> -> memref<256xi32, #tpu.memory_space<hbm>>
    %dma_start3A_21 = tpu.memref_slice %arg2[%add3A_19] : memref<819200xi32, #tpu.memory_space<hbm>> -> memref<256xi32, #tpu.memory_space<hbm>>
    tpu.enqueue_dma source(%dma_start3A_21 : memref<256xi32, #tpu.memory_space<hbm>>) target(%arg11 : memref<256xi32, #tpu.memory_space<vmem>>) target_semaphore(%arg37 : memref<!tpu.dma_semaphore, #tpu.memory_space<semaphore_mem>>)
    %dma_start3A_22 = tpu.memref_slice %arg3[%add3A_19] : memref<819200xi32, #tpu.memory_space<hbm>> -> memref<256xi32, #tpu.memory_space<hbm>>
    %dma_start3A_23 = tpu.memref_slice %arg3[%add3A_19] : memref<819200xi32, #tpu.memory_space<hbm>> -> memref<256xi32, #tpu.memory_space<hbm>>
    tpu.enqueue_dma source(%dma_start3A_23 : memref<256xi32, #tpu.memory_space<hbm>>) target(%arg15 : memref<256xi32, #tpu.memory_space<vmem>>) target_semaphore(%arg37 : memref<!tpu.dma_semaphore, #tpu.memory_space<semaphore_mem>>)
    %dma_start3A_24 = tpu.memref_slice %arg4[%add3A_19] : memref<819200xi32, #tpu.memory_space<hbm>> -> memref<256xi32, #tpu.memory_space<hbm>>
    %dma_start3A_25 = tpu.memref_slice %arg4[%add3A_19] : memref<819200xi32, #tpu.memory_space<hbm>> -> memref<256xi32, #tpu.memory_space<hbm>>
    tpu.enqueue_dma source(%dma_start3A_25 : memref<256xi32, #tpu.memory_space<hbm>>) target(%arg19 : memref<256xi32, #tpu.memory_space<vmem>>) target_semaphore(%arg37 : memref<!tpu.dma_semaphore, #tpu.memory_space<semaphore_mem>>)
    %add3A_26 = arith.constant 768 : i32
    %add3A_27 = arith.addi %mul3A_2, %add3A_26 : i32
    %dma_start3A_28 = tpu.memref_slice %arg2[%add3A_27] : memref<819200xi32, #tpu.memory_space<hbm>> -> memref<256xi32, #tpu.memory_space<hbm>>
    %dma_start3A_29 = tpu.memref_slice %arg2[%add3A_27] : memref<819200xi32, #tpu.memory_space<hbm>> -> memref<256xi32, #tpu.memory_space<hbm>>
    tpu.enqueue_dma source(%dma_start3A_29 : memref<256xi32, #tpu.memory_space<hbm>>) target(%arg12 : memref<256xi32, #tpu.memory_space<vmem>>) target_semaphore(%arg38 : memref<!tpu.dma_semaphore, #tpu.memory_space<semaphore_mem>>)
    %dma_start3A_30 = tpu.memref_slice %arg3[%add3A_27] : memref<819200xi32, #tpu.memory_space<hbm>> -> memref<256xi32, #tpu.memory_space<hbm>>
    %dma_start3A_31 = tpu.memref_slice %arg3[%add3A_27] : memref<819200xi32, #tpu.memory_space<hbm>> -> memref<256xi32, #tpu.memory_space<hbm>>
    tpu.enqueue_dma source(%dma_start3A_31 : memref<256xi32, #tpu.memory_space<hbm>>) target(%arg16 : memref<256xi32, #tpu.memory_space<vmem>>) target_semaphore(%arg38 : memref<!tpu.dma_semaphore, #tpu.memory_space<semaphore_mem>>)
    %dma_start3A_32 = tpu.memref_slice %arg4[%add3A_27] : memref<819200xi32, #tpu.memory_space<hbm>> -> memref<256xi32, #tpu.memory_space<hbm>>
    %dma_start3A_33 = tpu.memref_slice %arg4[%add3A_27] : memref<819200xi32, #tpu.memory_space<hbm>> -> memref<256xi32, #tpu.memory_space<hbm>>
    tpu.enqueue_dma source(%dma_start3A_33 : memref<256xi32, #tpu.memory_space<hbm>>) target(%arg20 : memref<256xi32, #tpu.memory_space<vmem>>) target_semaphore(%arg38 : memref<!tpu.dma_semaphore, #tpu.memory_space<semaphore_mem>>)
    %dma_wait3A = arith.constant 0 : i32
    %dma_wait3A_34 = tpu.memref_slice %arg2[%dma_wait3A] : memref<819200xi32, #tpu.memory_space<hbm>> -> memref<256xi32, #tpu.memory_space<hbm>>
    %dma_wait3A_35 = arith.constant 0 : i32
    %dma_wait3A_36 = tpu.memref_slice %arg2[%dma_wait3A_35] : memref<819200xi32, #tpu.memory_space<hbm>> -> memref<256xi32, #tpu.memory_space<hbm>>
    tpu.wait_dma2 semaphore(%arg35 : memref<!tpu.dma_semaphore, #tpu.memory_space<semaphore_mem>>) src(%dma_wait3A_36 : memref<256xi32, #tpu.memory_space<hbm>>) dst(%arg9 : memref<256xi32, #tpu.memory_space<vmem>>)
    %dma_wait3A_37 = arith.constant 0 : i32
    %dma_wait3A_38 = tpu.memref_slice %arg2[%dma_wait3A_37] : memref<819200xi32, #tpu.memory_space<hbm>> -> memref<256xi32, #tpu.memory_space<hbm>>
    %dma_wait3A_39 = arith.constant 0 : i32
    %dma_wait3A_40 = tpu.memref_slice %arg2[%dma_wait3A_39] : memref<819200xi32, #tpu.memory_space<hbm>> -> memref<256xi32, #tpu.memory_space<hbm>>
    tpu.wait_dma2 semaphore(%arg35 : memref<!tpu.dma_semaphore, #tpu.memory_space<semaphore_mem>>) src(%dma_wait3A_40 : memref<256xi32, #tpu.memory_space<hbm>>) dst(%arg13 : memref<256xi32, #tpu.memory_space<vmem>>)
    %dma_wait3A_41 = arith.constant 0 : i32
    %dma_wait3A_42 = tpu.memref_slice %arg2[%dma_wait3A_41] : memref<819200xi32, #tpu.memory_space<hbm>> -> memref<256xi32, #tpu.memory_space<hbm>>
    %dma_wait3A_43 = arith.constant 0 : i32
    %dma_wait3A_44 = tpu.memref_slice %arg2[%dma_wait3A_43] : memref<819200xi32, #tpu.memory_space<hbm>> -> memref<256xi32, #tpu.memory_space<hbm>>
    tpu.wait_dma2 semaphore(%arg35 : memref<!tpu.dma_semaphore, #tpu.memory_space<semaphore_mem>>) src(%dma_wait3A_44 : memref<256xi32, #tpu.memory_space<hbm>>) dst(%arg17 : memref<256xi32, #tpu.memory_space<vmem>>)
    %dma_start3A_45 = arith.constant 0 : i32
    %dma_start3A_46 = arith.constant 0 : i32
    %dma_start3A_47 = tpu.memref_slice %arg21[%dma_start3A_45, %dma_start3A_46] : memref<256x64xf32, #tpu.memory_space<vmem>> -> memref<128x64xf32, #tpu.memory_space<vmem>>
    %dma_start3A_48 = arith.constant 0 : i32
    %dma_start3A_49 = tpu.memref_slice %arg9[%dma_start3A_48] : memref<256xi32, #tpu.memory_space<vmem>> -> memref<128xi32, #tpu.memory_space<vmem>>
    %dma_start3A_50 = arith.constant 0 : i32
    %dma_start3A_51 = arith.constant 0 : i32
    %dma_start3A_52 = tpu.memref_slice %arg5[%dma_start3A_50, %dma_start3A_51] : memref<100000x64xf32, #tpu.memory_space<hbm>> -> memref<100000x64xf32, #tpu.memory_space<hbm>>
    tpu.enqueue_indirect_dma source(%dma_start3A_52 : memref<100000x64xf32, #tpu.memory_space<hbm>>) target(%dma_start3A_47 : memref<128x64xf32, #tpu.memory_space<vmem>>) offsets(%dma_start3A_49 : memref<128xi32, #tpu.memory_space<vmem>>) semaphore(%arg27 : memref<!tpu.dma_semaphore, #tpu.memory_space<semaphore_mem>>)
    %dma_start3A_53 = arith.constant 128 : i32
    %dma_start3A_54 = arith.constant 0 : i32
    %dma_start3A_55 = tpu.memref_slice %arg21[%dma_start3A_53, %dma_start3A_54] : memref<256x64xf32, #tpu.memory_space<vmem>> -> memref<128x64xf32, #tpu.memory_space<vmem>>
    %dma_start3A_56 = arith.constant 128 : i32
    %dma_start3A_57 = tpu.memref_slice %arg9[%dma_start3A_56] : memref<256xi32, #tpu.memory_space<vmem>> -> memref<128xi32, #tpu.memory_space<vmem>>
    %dma_start3A_58 = arith.constant 0 : i32
    %dma_start3A_59 = arith.constant 0 : i32
    %dma_start3A_60 = tpu.memref_slice %arg5[%dma_start3A_58, %dma_start3A_59] : memref<100000x64xf32, #tpu.memory_space<hbm>> -> memref<100000x64xf32, #tpu.memory_space<hbm>>
    tpu.enqueue_indirect_dma source(%dma_start3A_60 : memref<100000x64xf32, #tpu.memory_space<hbm>>) target(%dma_start3A_55 : memref<128x64xf32, #tpu.memory_space<vmem>>) offsets(%dma_start3A_57 : memref<128xi32, #tpu.memory_space<vmem>>) semaphore(%arg27 : memref<!tpu.dma_semaphore, #tpu.memory_space<semaphore_mem>>)
    %dma_wait3A_61 = arith.constant 0 : i32
    %dma_wait3A_62 = tpu.memref_slice %arg2[%dma_wait3A_61] : memref<819200xi32, #tpu.memory_space<hbm>> -> memref<256xi32, #tpu.memory_space<hbm>>
    %dma_wait3A_63 = arith.constant 0 : i32
    %dma_wait3A_64 = tpu.memref_slice %arg2[%dma_wait3A_63] : memref<819200xi32, #tpu.memory_space<hbm>> -> memref<256xi32, #tpu.memory_space<hbm>>
    tpu.wait_dma2 semaphore(%arg36 : memref<!tpu.dma_semaphore, #tpu.memory_space<semaphore_mem>>) src(%dma_wait3A_64 : memref<256xi32, #tpu.memory_space<hbm>>) dst(%arg10 : memref<256xi32, #tpu.memory_space<vmem>>)
    %dma_wait3A_65 = arith.constant 0 : i32
    %dma_wait3A_66 = tpu.memref_slice %arg2[%dma_wait3A_65] : memref<819200xi32, #tpu.memory_space<hbm>> -> memref<256xi32, #tpu.memory_space<hbm>>
    %dma_wait3A_67 = arith.constant 0 : i32
    %dma_wait3A_68 = tpu.memref_slice %arg2[%dma_wait3A_67] : memref<819200xi32, #tpu.memory_space<hbm>> -> memref<256xi32, #tpu.memory_space<hbm>>
    tpu.wait_dma2 semaphore(%arg36 : memref<!tpu.dma_semaphore, #tpu.memory_space<semaphore_mem>>) src(%dma_wait3A_68 : memref<256xi32, #tpu.memory_space<hbm>>) dst(%arg14 : memref<256xi32, #tpu.memory_space<vmem>>)
    %dma_wait3A_69 = arith.constant 0 : i32
    %dma_wait3A_70 = tpu.memref_slice %arg2[%dma_wait3A_69] : memref<819200xi32, #tpu.memory_space<hbm>> -> memref<256xi32, #tpu.memory_space<hbm>>
    %dma_wait3A_71 = arith.constant 0 : i32
    %dma_wait3A_72 = tpu.memref_slice %arg2[%dma_wait3A_71] : memref<819200xi32, #tpu.memory_space<hbm>> -> memref<256xi32, #tpu.memory_space<hbm>>
    tpu.wait_dma2 semaphore(%arg36 : memref<!tpu.dma_semaphore, #tpu.memory_space<semaphore_mem>>) src(%dma_wait3A_72 : memref<256xi32, #tpu.memory_space<hbm>>) dst(%arg18 : memref<256xi32, #tpu.memory_space<vmem>>)
    %dma_start3A_73 = arith.constant 0 : i32
    %dma_start3A_74 = arith.constant 0 : i32
    %dma_start3A_75 = tpu.memref_slice %arg22[%dma_start3A_73, %dma_start3A_74] : memref<256x64xf32, #tpu.memory_space<vmem>> -> memref<128x64xf32, #tpu.memory_space<vmem>>
    %dma_start3A_76 = arith.constant 0 : i32
    %dma_start3A_77 = tpu.memref_slice %arg10[%dma_start3A_76] : memref<256xi32, #tpu.memory_space<vmem>> -> memref<128xi32, #tpu.memory_space<vmem>>
    %dma_start3A_78 = arith.constant 0 : i32
    %dma_start3A_79 = arith.constant 0 : i32
    %dma_start3A_80 = tpu.memref_slice %arg5[%dma_start3A_78, %dma_start3A_79] : memref<100000x64xf32, #tpu.memory_space<hbm>> -> memref<100000x64xf32, #tpu.memory_space<hbm>>
    tpu.enqueue_indirect_dma source(%dma_start3A_80 : memref<100000x64xf32, #tpu.memory_space<hbm>>) target(%dma_start3A_75 : memref<128x64xf32, #tpu.memory_space<vmem>>) offsets(%dma_start3A_77 : memref<128xi32, #tpu.memory_space<vmem>>) semaphore(%arg28 : memref<!tpu.dma_semaphore, #tpu.memory_space<semaphore_mem>>)
    %dma_start3A_81 = arith.constant 128 : i32
    %dma_start3A_82 = arith.constant 0 : i32
    %dma_start3A_83 = tpu.memref_slice %arg22[%dma_start3A_81, %dma_start3A_82] : memref<256x64xf32, #tpu.memory_space<vmem>> -> memref<128x64xf32, #tpu.memory_space<vmem>>
    %dma_start3A_84 = arith.constant 128 : i32
    %dma_start3A_85 = tpu.memref_slice %arg10[%dma_start3A_84] : memref<256xi32, #tpu.memory_space<vmem>> -> memref<128xi32, #tpu.memory_space<vmem>>
    %dma_start3A_86 = arith.constant 0 : i32
    %dma_start3A_87 = arith.constant 0 : i32
    %dma_start3A_88 = tpu.memref_slice %arg5[%dma_start3A_86, %dma_start3A_87] : memref<100000x64xf32, #tpu.memory_space<hbm>> -> memref<100000x64xf32, #tpu.memory_space<hbm>>
    tpu.enqueue_indirect_dma source(%dma_start3A_88 : memref<100000x64xf32, #tpu.memory_space<hbm>>) target(%dma_start3A_83 : memref<128x64xf32, #tpu.memory_space<vmem>>) offsets(%dma_start3A_85 : memref<128xi32, #tpu.memory_space<vmem>>) semaphore(%arg28 : memref<!tpu.dma_semaphore, #tpu.memory_space<semaphore_mem>>)
    %dma_wait3A_89 = arith.constant 0 : i32
    %dma_wait3A_90 = tpu.memref_slice %arg2[%dma_wait3A_89] : memref<819200xi32, #tpu.memory_space<hbm>> -> memref<256xi32, #tpu.memory_space<hbm>>
    %dma_wait3A_91 = arith.constant 0 : i32
    %dma_wait3A_92 = tpu.memref_slice %arg2[%dma_wait3A_91] : memref<819200xi32, #tpu.memory_space<hbm>> -> memref<256xi32, #tpu.memory_space<hbm>>
    tpu.wait_dma2 semaphore(%arg37 : memref<!tpu.dma_semaphore, #tpu.memory_space<semaphore_mem>>) src(%dma_wait3A_92 : memref<256xi32, #tpu.memory_space<hbm>>) dst(%arg11 : memref<256xi32, #tpu.memory_space<vmem>>)
    %dma_wait3A_93 = arith.constant 0 : i32
    %dma_wait3A_94 = tpu.memref_slice %arg2[%dma_wait3A_93] : memref<819200xi32, #tpu.memory_space<hbm>> -> memref<256xi32, #tpu.memory_space<hbm>>
    %dma_wait3A_95 = arith.constant 0 : i32
    %dma_wait3A_96 = tpu.memref_slice %arg2[%dma_wait3A_95] : memref<819200xi32, #tpu.memory_space<hbm>> -> memref<256xi32, #tpu.memory_space<hbm>>
    tpu.wait_dma2 semaphore(%arg37 : memref<!tpu.dma_semaphore, #tpu.memory_space<semaphore_mem>>) src(%dma_wait3A_96 : memref<256xi32, #tpu.memory_space<hbm>>) dst(%arg15 : memref<256xi32, #tpu.memory_space<vmem>>)
    %dma_wait3A_97 = arith.constant 0 : i32
    %dma_wait3A_98 = tpu.memref_slice %arg2[%dma_wait3A_97] : memref<819200xi32, #tpu.memory_space<hbm>> -> memref<256xi32, #tpu.memory_space<hbm>>
    %dma_wait3A_99 = arith.constant 0 : i32
    %dma_wait3A_100 = tpu.memref_slice %arg2[%dma_wait3A_99] : memref<819200xi32, #tpu.memory_space<hbm>> -> memref<256xi32, #tpu.memory_space<hbm>>
    tpu.wait_dma2 semaphore(%arg37 : memref<!tpu.dma_semaphore, #tpu.memory_space<semaphore_mem>>) src(%dma_wait3A_100 : memref<256xi32, #tpu.memory_space<hbm>>) dst(%arg19 : memref<256xi32, #tpu.memory_space<vmem>>)
    %dma_start3A_101 = arith.constant 0 : i32
    %dma_start3A_102 = arith.constant 0 : i32
    %dma_start3A_103 = tpu.memref_slice %arg23[%dma_start3A_101, %dma_start3A_102] : memref<256x64xf32, #tpu.memory_space<vmem>> -> memref<128x64xf32, #tpu.memory_space<vmem>>
    %dma_start3A_104 = arith.constant 0 : i32
    %dma_start3A_105 = tpu.memref_slice %arg11[%dma_start3A_104] : memref<256xi32, #tpu.memory_space<vmem>> -> memref<128xi32, #tpu.memory_space<vmem>>
    %dma_start3A_106 = arith.constant 0 : i32
    %dma_start3A_107 = arith.constant 0 : i32
    %dma_start3A_108 = tpu.memref_slice %arg5[%dma_start3A_106, %dma_start3A_107] : memref<100000x64xf32, #tpu.memory_space<hbm>> -> memref<100000x64xf32, #tpu.memory_space<hbm>>
    tpu.enqueue_indirect_dma source(%dma_start3A_108 : memref<100000x64xf32, #tpu.memory_space<hbm>>) target(%dma_start3A_103 : memref<128x64xf32, #tpu.memory_space<vmem>>) offsets(%dma_start3A_105 : memref<128xi32, #tpu.memory_space<vmem>>) semaphore(%arg29 : memref<!tpu.dma_semaphore, #tpu.memory_space<semaphore_mem>>)
    %dma_start3A_109 = arith.constant 128 : i32
    %dma_start3A_110 = arith.constant 0 : i32
    %dma_start3A_111 = tpu.memref_slice %arg23[%dma_start3A_109, %dma_start3A_110] : memref<256x64xf32, #tpu.memory_space<vmem>> -> memref<128x64xf32, #tpu.memory_space<vmem>>
    %dma_start3A_112 = arith.constant 128 : i32
    %dma_start3A_113 = tpu.memref_slice %arg11[%dma_start3A_112] : memref<256xi32, #tpu.memory_space<vmem>> -> memref<128xi32, #tpu.memory_space<vmem>>
    %dma_start3A_114 = arith.constant 0 : i32
    %dma_start3A_115 = arith.constant 0 : i32
    %dma_start3A_116 = tpu.memref_slice %arg5[%dma_start3A_114, %dma_start3A_115] : memref<100000x64xf32, #tpu.memory_space<hbm>> -> memref<100000x64xf32, #tpu.memory_space<hbm>>
    tpu.enqueue_indirect_dma source(%dma_start3A_116 : memref<100000x64xf32, #tpu.memory_space<hbm>>) target(%dma_start3A_111 : memref<128x64xf32, #tpu.memory_space<vmem>>) offsets(%dma_start3A_113 : memref<128xi32, #tpu.memory_space<vmem>>) semaphore(%arg29 : memref<!tpu.dma_semaphore, #tpu.memory_space<semaphore_mem>>)
    %scan3A = arith.constant 0 : i32
    %scan3A_117 = arith.constant 25 : i32
    %scan3A_118 = arith.addi %scan3A, %scan3A_117 : i32
    %scan3A_119 = arith.constant 1 : i32
    scf.for %scan3A_145 = %scan3A to %scan3A_118 step %scan3A_119  : i32 {
      %mul3A_146 = arith.constant 4 : i32
      %mul3A_147 = arith.muli %scan3A_145, %mul3A_146 : i32
      %add3A_148 = arith.constant 0 : i32
      %add3A_149 = arith.addi %add3A_148, %mul3A_147 : i32
      %add3A_150 = arith.constant 0 : i32
      %add3A_151 = arith.addi %add3A_149, %add3A_150 : i32
      %dma_wait3A_152 = arith.constant 0 : i32
      %dma_wait3A_153 = arith.constant 0 : i32
      %dma_wait3A_154 = tpu.memref_slice %arg5[%dma_wait3A_152, %dma_wait3A_153] : memref<100000x64xf32, #tpu.memory_space<hbm>> -> memref<256x64xf32, #tpu.memory_space<hbm>>
      %dma_wait3A_155 = arith.constant 0 : i32
      %dma_wait3A_156 = arith.constant 0 : i32
      %dma_wait3A_157 = tpu.memref_slice %arg5[%dma_wait3A_155, %dma_wait3A_156] : memref<100000x64xf32, #tpu.memory_space<hbm>> -> memref<256x64xf32, #tpu.memory_space<hbm>>
      tpu.wait_dma2 semaphore(%arg27 : memref<!tpu.dma_semaphore, #tpu.memory_space<semaphore_mem>>) src(%dma_wait3A_157 : memref<256x64xf32, #tpu.memory_space<hbm>>) dst(%arg21 : memref<256x64xf32, #tpu.memory_space<vmem>>)
      %scan3A_158 = arith.constant 0 : i32
      %scan3A_159 = arith.constant 16 : i32
      %scan3A_160 = arith.addi %scan3A_158, %scan3A_159 : i32
      %scan3A_161 = arith.constant 1 : i32
      scf.for %scan3A_290 = %scan3A_158 to %scan3A_160 step %scan3A_161  : i32 {
        %mul3A_291 = arith.constant 1 : i32
        %mul3A_292 = arith.muli %scan3A_290, %mul3A_291 : i32
        %add3A_293 = arith.constant 0 : i32
        %add3A_294 = arith.addi %add3A_293, %mul3A_292 : i32
        %mul3A_295 = arith.constant 16 : i32
        %mul3A_296 = arith.muli %add3A_294, %mul3A_295 : i32
        %add3A_297 = vector.broadcast %mul3A_296 : i32 to vector<16xi32>
        %add3A_298 = arith.addi %add3A_297, %iota3A : vector<16xi32>
        %mul3A_299 = arith.constant 16 : i32
        %mul3A_300 = arith.muli %add3A_294, %mul3A_299 : i32
        %get3A = arith.index_cast %mul3A_300 : i32 to index
        %get3A_301 = tpu.vector_load %arg13[%get3A] {strides = array<i32>} : memref<256xi32, #tpu.memory_space<vmem>>, vector<16xi32>,
        %mul3A_302 = arith.constant 5 : i32
        %mul3A_303 = vector.broadcast %mul3A_302 : i32 to vector<16xi32>
        %mul3A_304 = arith.muli %get3A_301, %mul3A_303 : vector<16xi32>
        %mul3A_305 = arith.constant 16 : i32
        %mul3A_306 = arith.muli %add3A_294, %mul3A_305 : i32
        %get3A_307 = arith.index_cast %mul3A_306 : i32 to index
        %get3A_308 = tpu.vector_load %arg17[%get3A_307] {strides = array<i32>} : memref<256xi32, #tpu.memory_space<vmem>>, vector<16xi32>,
        %mul3A_309 = arith.constant 5 : i32
        %mul3A_310 = vector.broadcast %mul3A_309 : i32 to vector<16xi32>
        %mul3A_311 = arith.muli %get3A_308, %mul3A_310 : vector<16xi32>
        %add3A_312 = arith.constant 0 : i32
        %add3A_313 = vector.broadcast %add3A_312 : i32 to vector<16xi32>
        %add3A_314 = arith.addi %mul3A_304, %add3A_313 : vector<16xi32>
        %gather3A = tpu.vector_load_idx %arg25[%add3A_314] : memref<2000xf32, #tpu.memory_space<vmem>>[vector<16xi32>], vector<16xf32>,
        %broadcast_in_dim3A = arith.constant 50 : i32
        %broadcast_in_dim3A_315 = vector.broadcast %broadcast_in_dim3A : i32 to vector<16xi32>
        tpu.vector_store_idx %arg21[%add3A_298, %broadcast_in_dim3A_315], %gather3A : memref<256x64xf32, #tpu.memory_space<vmem>>[vector<16xi32>, vector<16xi32>], vector<16xf32>,
        %add3A_316 = arith.constant 0 : i32
        %add3A_317 = vector.broadcast %add3A_316 : i32 to vector<16xi32>
        %add3A_318 = arith.addi %mul3A_311, %add3A_317 : vector<16xi32>
        %gather3A_319 = tpu.vector_load_idx %arg26[%add3A_318] : memref<2000xf32, #tpu.memory_space<vmem>>[vector<16xi32>], vector<16xf32>,
        %broadcast_in_dim3A_320 = arith.constant 55 : i32
        %broadcast_in_dim3A_321 = vector.broadcast %broadcast_in_dim3A_320 : i32 to vector<16xi32>
        tpu.vector_store_idx %arg21[%add3A_298, %broadcast_in_dim3A_321], %gather3A_319 : memref<256x64xf32, #tpu.memory_space<vmem>>[vector<16xi32>, vector<16xi32>], vector<16xf32>,
        %add3A_322 = arith.constant 1 : i32
        %add3A_323 = vector.broadcast %add3A_322 : i32 to vector<16xi32>
        %add3A_324 = arith.addi %mul3A_304, %add3A_323 : vector<16xi32>
        %gather3A_325 = tpu.vector_load_idx %arg25[%add3A_324] : memref<2000xf32, #tpu.memory_space<vmem>>[vector<16xi32>], vector<16xf32>,
        %broadcast_in_dim3A_326 = arith.constant 51 : i32
        %broadcast_in_dim3A_327 = vector.broadcast %broadcast_in_dim3A_326 : i32 to vector<16xi32>
        tpu.vector_store_idx %arg21[%add3A_298, %broadcast_in_dim3A_327], %gather3A_325 : memref<256x64xf32, #tpu.memory_space<vmem>>[vector<16xi32>, vector<16xi32>], vector<16xf32>,
        %add3A_328 = arith.constant 1 : i32
        %add3A_329 = vector.broadcast %add3A_328 : i32 to vector<16xi32>
        %add3A_330 = arith.addi %mul3A_311, %add3A_329 : vector<16xi32>
        %gather3A_331 = tpu.vector_load_idx %arg26[%add3A_330] : memref<2000xf32, #tpu.memory_space<vmem>>[vector<16xi32>], vector<16xf32>,
        %broadcast_in_dim3A_332 = arith.constant 56 : i32
        %broadcast_in_dim3A_333 = vector.broadcast %broadcast_in_dim3A_332 : i32 to vector<16xi32>
        tpu.vector_store_idx %arg21[%add3A_298, %broadcast_in_dim3A_333], %gather3A_331 : memref<256x64xf32, #tpu.memory_space<vmem>>[vector<16xi32>, vector<16xi32>], vector<16xf32>,
        %add3A_334 = arith.constant 2 : i32
        %add3A_335 = vector.broadcast %add3A_334 : i32 to vector<16xi32>
        %add3A_336 = arith.addi %mul3A_304, %add3A_335 : vector<16xi32>
        %gather3A_337 = tpu.vector_load_idx %arg25[%add3A_336] : memref<2000xf32, #tpu.memory_space<vmem>>[vector<16xi32>], vector<16xf32>,
        %broadcast_in_dim3A_338 = arith.constant 52 : i32
        %broadcast_in_dim3A_339 = vector.broadcast %broadcast_in_dim3A_338 : i32 to vector<16xi32>
        tpu.vector_store_idx %arg21[%add3A_298, %broadcast_in_dim3A_339], %gather3A_337 : memref<256x64xf32, #tpu.memory_space<vmem>>[vector<16xi32>, vector<16xi32>], vector<16xf32>,
        %add3A_340 = arith.constant 2 : i32
        %add3A_341 = vector.broadcast %add3A_340 : i32 to vector<16xi32>
        %add3A_342 = arith.addi %mul3A_311, %add3A_341 : vector<16xi32>
        %gather3A_343 = tpu.vector_load_idx %arg26[%add3A_342] : memref<2000xf32, #tpu.memory_space<vmem>>[vector<16xi32>], vector<16xf32>,
        %broadcast_in_dim3A_344 = arith.constant 57 : i32
        %broadcast_in_dim3A_345 = vector.broadcast %broadcast_in_dim3A_344 : i32 to vector<16xi32>
        tpu.vector_store_idx %arg21[%add3A_298, %broadcast_in_dim3A_345], %gather3A_343 : memref<256x64xf32, #tpu.memory_space<vmem>>[vector<16xi32>, vector<16xi32>], vector<16xf32>,
        %add3A_346 = arith.constant 3 : i32
        %add3A_347 = vector.broadcast %add3A_346 : i32 to vector<16xi32>
        %add3A_348 = arith.addi %mul3A_304, %add3A_347 : vector<16xi32>
        %gather3A_349 = tpu.vector_load_idx %arg25[%add3A_348] : memref<2000xf32, #tpu.memory_space<vmem>>[vector<16xi32>], vector<16xf32>,
        %broadcast_in_dim3A_350 = arith.constant 53 : i32
        %broadcast_in_dim3A_351 = vector.broadcast %broadcast_in_dim3A_350 : i32 to vector<16xi32>
        tpu.vector_store_idx %arg21[%add3A_298, %broadcast_in_dim3A_351], %gather3A_349 : memref<256x64xf32, #tpu.memory_space<vmem>>[vector<16xi32>, vector<16xi32>], vector<16xf32>,
        %add3A_352 = arith.constant 3 : i32
        %add3A_353 = vector.broadcast %add3A_352 : i32 to vector<16xi32>
        %add3A_354 = arith.addi %mul3A_311, %add3A_353 : vector<16xi32>
        %gather3A_355 = tpu.vector_load_idx %arg26[%add3A_354] : memref<2000xf32, #tpu.memory_space<vmem>>[vector<16xi32>], vector<16xf32>,
        %broadcast_in_dim3A_356 = arith.constant 58 : i32
        %broadcast_in_dim3A_357 = vector.broadcast %broadcast_in_dim3A_356 : i32 to vector<16xi32>
        tpu.vector_store_idx %arg21[%add3A_298, %broadcast_in_dim3A_357], %gather3A_355 : memref<256x64xf32, #tpu.memory_space<vmem>>[vector<16xi32>, vector<16xi32>], vector<16xf32>,
        %add3A_358 = arith.constant 4 : i32
        %add3A_359 = vector.broadcast %add3A_358 : i32 to vector<16xi32>
        %add3A_360 = arith.addi %mul3A_304, %add3A_359 : vector<16xi32>
        %gather3A_361 = tpu.vector_load_idx %arg25[%add3A_360] : memref<2000xf32, #tpu.memory_space<vmem>>[vector<16xi32>], vector<16xf32>,
        %broadcast_in_dim3A_362 = arith.constant 54 : i32
        %broadcast_in_dim3A_363 = vector.broadcast %broadcast_in_dim3A_362 : i32 to vector<16xi32>
        tpu.vector_store_idx %arg21[%add3A_298, %broadcast_in_dim3A_363], %gather3A_361 : memref<256x64xf32, #tpu.memory_space<vmem>>[vector<16xi32>, vector<16xi32>], vector<16xf32>,
        %add3A_364 = arith.constant 4 : i32
        %add3A_365 = vector.broadcast %add3A_364 : i32 to vector<16xi32>
        %add3A_366 = arith.addi %mul3A_311, %add3A_365 : vector<16xi32>
        %gather3A_367 = tpu.vector_load_idx %arg26[%add3A_366] : memref<2000xf32, #tpu.memory_space<vmem>>[vector<16xi32>], vector<16xf32>,
        %broadcast_in_dim3A_368 = arith.constant 59 : i32
        %broadcast_in_dim3A_369 = vector.broadcast %broadcast_in_dim3A_368 : i32 to vector<16xi32>
        tpu.vector_store_idx %arg21[%add3A_298, %broadcast_in_dim3A_369], %gather3A_367 : memref<256x64xf32, #tpu.memory_space<vmem>>[vector<16xi32>, vector<16xi32>], vector<16xf32>,
      }
      %scan3A_162 = arith.constant 16 : i32
      %mul3A_163 = arith.constant 256 : i32
      %mul3A_164 = arith.muli %add3A_151, %mul3A_163 : i32
      %add3A_165 = arith.addi %mul3A_2, %mul3A_164 : i32
      %dma_start3A_166 = arith.constant 0 : i32
      %dma_start3A_167 = tpu.memref_slice %arg8[%add3A_165, %dma_start3A_166] : memref<819200x128xf32, #tpu.memory_space<hbm>> -> memref<256x64xf32, #tpu.memory_space<hbm>>
      %dma_start3A_168 = arith.constant 0 : i32
      %dma_start3A_169 = tpu.memref_slice %arg8[%add3A_165, %dma_start3A_168] : memref<819200x128xf32, #tpu.memory_space<hbm>> -> memref<256x64xf32, #tpu.memory_space<hbm>>
      tpu.enqueue_dma source(%arg21 : memref<256x64xf32, #tpu.memory_space<vmem>>) target(%dma_start3A_169 : memref<256x64xf32, #tpu.memory_space<hbm>>) target_semaphore(%arg31 : memref<!tpu.dma_semaphore, #tpu.memory_space<semaphore_mem>>)
      %add3A_170 = arith.constant 4 : i32
      %add3A_171 = arith.addi %add3A_151, %add3A_170 : i32
      %lt3A = arith.constant 100 : i32
      %lt3A_172 = arith.cmpi slt, %add3A_171, %lt3A : i32
      %convert_element_type3A = arith.extui %lt3A_172 : i1 to i32
      %cond3A = arith.constant 0 : i32
      %cond3A_173 = arith.cmpi ne, %convert_element_type3A, %cond3A : i32
      scf.if %cond3A_173 {
        %add3A_290 = arith.constant 4 : i32
        %add3A_291 = arith.addi %add3A_151, %add3A_290 : i32
        %mul3A_292 = arith.constant 256 : i32
        %mul3A_293 = arith.muli %add3A_291, %mul3A_292 : i32
        %add3A_294 = arith.addi %mul3A_2, %mul3A_293 : i32
        %dma_start3A_295 = tpu.memref_slice %arg2[%add3A_294] : memref<819200xi32, #tpu.memory_space<hbm>> -> memref<256xi32, #tpu.memory_space<hbm>>
        %dma_start3A_296 = tpu.memref_slice %arg2[%add3A_294] : memref<819200xi32, #tpu.memory_space<hbm>> -> memref<256xi32, #tpu.memory_space<hbm>>
        tpu.enqueue_dma source(%dma_start3A_296 : memref<256xi32, #tpu.memory_space<hbm>>) target(%arg9 : memref<256xi32, #tpu.memory_space<vmem>>) target_semaphore(%arg35 : memref<!tpu.dma_semaphore, #tpu.memory_space<semaphore_mem>>)
        %dma_start3A_297 = tpu.memref_slice %arg3[%add3A_294] : memref<819200xi32, #tpu.memory_space<hbm>> -> memref<256xi32, #tpu.memory_space<hbm>>
        %dma_start3A_298 = tpu.memref_slice %arg3[%add3A_294] : memref<819200xi32, #tpu.memory_space<hbm>> -> memref<256xi32, #tpu.memory_space<hbm>>
        tpu.enqueue_dma source(%dma_start3A_298 : memref<256xi32, #tpu.memory_space<hbm>>) target(%arg13 : memref<256xi32, #tpu.memory_space<vmem>>) target_semaphore(%arg35 : memref<!tpu.dma_semaphore, #tpu.memory_space<semaphore_mem>>)
        %dma_start3A_299 = tpu.memref_slice %arg4[%add3A_294] : memref<819200xi32, #tpu.memory_space<hbm>> -> memref<256xi32, #tpu.memory_space<hbm>>
        %dma_start3A_300 = tpu.memref_slice %arg4[%add3A_294] : memref<819200xi32, #tpu.memory_space<hbm>> -> memref<256xi32, #tpu.memory_space<hbm>>
        tpu.enqueue_dma source(%dma_start3A_300 : memref<256xi32, #tpu.memory_space<hbm>>) target(%arg17 : memref<256xi32, #tpu.memory_space<vmem>>) target_semaphore(%arg35 : memref<!tpu.dma_semaphore, #tpu.memory_space<semaphore_mem>>)
      } else {
      }
      %add3A_174 = arith.constant 4 : i32
      %add3A_175 = arith.addi %add3A_151, %add3A_174 : i32
      %sub3A = arith.constant 1 : i32
      %sub3A_176 = arith.subi %add3A_175, %sub3A : i32
      %lt3A_177 = arith.constant 100 : i32
      %lt3A_178 = arith.cmpi slt, %sub3A_176, %lt3A_177 : i32
      %convert_element_type3A_179 = arith.extui %lt3A_178 : i1 to i32
      %cond3A_180 = arith.constant 0 : i32
      %cond3A_181 = arith.cmpi ne, %convert_element_type3A_179, %cond3A_180 : i32
      scf.if %cond3A_181 {
        %ge3A = arith.constant 1 : i32
        %ge3A_290 = arith.cmpi sge, %add3A_151, %ge3A : i32
        %convert_element_type3A_291 = arith.extui %ge3A_290 : i1 to i32
        %cond3A_292 = arith.constant 0 : i32
        %cond3A_293 = arith.cmpi ne, %convert_element_type3A_291, %cond3A_292 : i32
        scf.if %cond3A_293 {
          %dma_wait3A_322 = arith.constant 0 : i32
          %dma_wait3A_323 = arith.constant 0 : i32
          %dma_wait3A_324 = tpu.memref_slice %arg8[%dma_wait3A_322, %dma_wait3A_323] : memref<819200x128xf32, #tpu.memory_space<hbm>> -> memref<256x64xf32, #tpu.memory_space<hbm>>
          %dma_wait3A_325 = arith.constant 0 : i32
          %dma_wait3A_326 = arith.constant 0 : i32
          %dma_wait3A_327 = tpu.memref_slice %arg8[%dma_wait3A_325, %dma_wait3A_326] : memref<819200x128xf32, #tpu.memory_space<hbm>> -> memref<256x64xf32, #tpu.memory_space<hbm>>
          tpu.wait_dma2 semaphore(%arg34 : memref<!tpu.dma_semaphore, #tpu.memory_space<semaphore_mem>>) src(%dma_wait3A_327 : memref<256x64xf32, #tpu.memory_space<hbm>>) dst(%arg24 : memref<256x64xf32, #tpu.memory_space<vmem>>)
        } else {
        }
        %dma_wait3A_294 = arith.constant 0 : i32
        %dma_wait3A_295 = tpu.memref_slice %arg2[%dma_wait3A_294] : memref<819200xi32, #tpu.memory_space<hbm>> -> memref<256xi32, #tpu.memory_space<hbm>>
        %dma_wait3A_296 = arith.constant 0 : i32
        %dma_wait3A_297 = tpu.memref_slice %arg2[%dma_wait3A_296] : memref<819200xi32, #tpu.memory_space<hbm>> -> memref<256xi32, #tpu.memory_space<hbm>>
        tpu.wait_dma2 semaphore(%arg38 : memref<!tpu.dma_semaphore, #tpu.memory_space<semaphore_mem>>) src(%dma_wait3A_297 : memref<256xi32, #tpu.memory_space<hbm>>) dst(%arg12 : memref<256xi32, #tpu.memory_space<vmem>>)
        %dma_wait3A_298 = arith.constant 0 : i32
        %dma_wait3A_299 = tpu.memref_slice %arg2[%dma_wait3A_298] : memref<819200xi32, #tpu.memory_space<hbm>> -> memref<256xi32, #tpu.memory_space<hbm>>
        %dma_wait3A_300 = arith.constant 0 : i32
        %dma_wait3A_301 = tpu.memref_slice %arg2[%dma_wait3A_300] : memref<819200xi32, #tpu.memory_space<hbm>> -> memref<256xi32, #tpu.memory_space<hbm>>
        tpu.wait_dma2 semaphore(%arg38 : memref<!tpu.dma_semaphore, #tpu.memory_space<semaphore_mem>>) src(%dma_wait3A_301 : memref<256xi32, #tpu.memory_space<hbm>>) dst(%arg16 : memref<256xi32, #tpu.memory_space<vmem>>)
        %dma_wait3A_302 = arith.constant 0 : i32
        %dma_wait3A_303 = tpu.memref_slice %arg2[%dma_wait3A_302] : memref<819200xi32, #tpu.memory_space<hbm>> -> memref<256xi32, #tpu.memory_space<hbm>>
        %dma_wait3A_304 = arith.constant 0 : i32
        %dma_wait3A_305 = tpu.memref_slice %arg2[%dma_wait3A_304] : memref<819200xi32, #tpu.memory_space<hbm>> -> memref<256xi32, #tpu.memory_space<hbm>>
        tpu.wait_dma2 semaphore(%arg38 : memref<!tpu.dma_semaphore, #tpu.memory_space<semaphore_mem>>) src(%dma_wait3A_305 : memref<256xi32, #tpu.memory_space<hbm>>) dst(%arg20 : memref<256xi32, #tpu.memory_space<vmem>>)
        %dma_start3A_306 = arith.constant 0 : i32
        %dma_start3A_307 = arith.constant 0 : i32
        %dma_start3A_308 = tpu.memref_slice %arg24[%dma_start3A_306, %dma_start3A_307] : memref<256x64xf32, #tpu.memory_space<vmem>> -> memref<128x64xf32, #tpu.memory_space<vmem>>
        %dma_start3A_309 = arith.constant 0 : i32
        %dma_start3A_310 = tpu.memref_slice %arg12[%dma_start3A_309] : memref<256xi32, #tpu.memory_space<vmem>> -> memref<128xi32, #tpu.memory_space<vmem>>
        %dma_start3A_311 = arith.constant 0 : i32
        %dma_start3A_312 = arith.constant 0 : i32
        %dma_start3A_313 = tpu.memref_slice %arg5[%dma_start3A_311, %dma_start3A_312] : memref<100000x64xf32, #tpu.memory_space<hbm>> -> memref<100000x64xf32, #tpu.memory_space<hbm>>
        tpu.enqueue_indirect_dma source(%dma_start3A_313 : memref<100000x64xf32, #tpu.memory_space<hbm>>) target(%dma_start3A_308 : memref<128x64xf32, #tpu.memory_space<vmem>>) offsets(%dma_start3A_310 : memref<128xi32, #tpu.memory_space<vmem>>) semaphore(%arg30 : memref<!tpu.dma_semaphore, #tpu.memory_space<semaphore_mem>>)
        %dma_start3A_314 = arith.constant 128 : i32
        %dma_start3A_315 = arith.constant 0 : i32
        %dma_start3A_316 = tpu.memref_slice %arg24[%dma_start3A_314, %dma_start3A_315] : memref<256x64xf32, #tpu.memory_space<vmem>> -> memref<128x64xf32, #tpu.memory_space<vmem>>
        %dma_start3A_317 = arith.constant 128 : i32
        %dma_start3A_318 = tpu.memref_slice %arg12[%dma_start3A_317] : memref<256xi32, #tpu.memory_space<vmem>> -> memref<128xi32, #tpu.memory_space<vmem>>
        %dma_start3A_319 = arith.constant 0 : i32
        %dma_start3A_320 = arith.constant 0 : i32
        %dma_start3A_321 = tpu.memref_slice %arg5[%dma_start3A_319, %dma_start3A_320] : memref<100000x64xf32, #tpu.memory_space<hbm>> -> memref<100000x64xf32, #tpu.memory_space<hbm>>
        tpu.enqueue_indirect_dma source(%dma_start3A_321 : memref<100000x64xf32, #tpu.memory_space<hbm>>) target(%dma_start3A_316 : memref<128x64xf32, #tpu.memory_space<vmem>>) offsets(%dma_start3A_318 : memref<128xi32, #tpu.memory_space<vmem>>) semaphore(%arg30 : memref<!tpu.dma_semaphore, #tpu.memory_space<semaphore_mem>>)
      } else {
      }
      %add3A_182 = arith.constant 1 : i32
      %add3A_183 = arith.addi %add3A_149, %add3A_182 : i32
      %dma_wait3A_184 = arith.constant 0 : i32
      %dma_wait3A_185 = arith.constant 0 : i32
      %dma_wait3A_186 = tpu.memref_slice %arg5[%dma_wait3A_184, %dma_wait3A_185] : memref<100000x64xf32, #tpu.memory_space<hbm>> -> memref<256x64xf32, #tpu.memory_space<hbm>>
      %dma_wait3A_187 = arith.constant 0 : i32
      %dma_wait3A_188 = arith.constant 0 : i32
      %dma_wait3A_189 = tpu.memref_slice %arg5[%dma_wait3A_187, %dma_wait3A_188] : memref<100000x64xf32, #tpu.memory_space<hbm>> -> memref<256x64xf32, #tpu.memory_space<hbm>>
      tpu.wait_dma2 semaphore(%arg28 : memref<!tpu.dma_semaphore, #tpu.memory_space<semaphore_mem>>) src(%dma_wait3A_189 : memref<256x64xf32, #tpu.memory_space<hbm>>) dst(%arg22 : memref<256x64xf32, #tpu.memory_space<vmem>>)
      %scan3A_190 = arith.constant 0 : i32
      %scan3A_191 = arith.constant 16 : i32
      %scan3A_192 = arith.addi %scan3A_190, %scan3A_191 : i32
      %scan3A_193 = arith.constant 1 : i32
      scf.for %scan3A_290 = %scan3A_190 to %scan3A_192 step %scan3A_193  : i32 {
        %mul3A_291 = arith.constant 1 : i32
        %mul3A_292 = arith.muli %scan3A_290, %mul3A_291 : i32
        %add3A_293 = arith.constant 0 : i32
        %add3A_294 = arith.addi %add3A_293, %mul3A_292 : i32
        %mul3A_295 = arith.constant 16 : i32
        %mul3A_296 = arith.muli %add3A_294, %mul3A_295 : i32
        %add3A_297 = vector.broadcast %mul3A_296 : i32 to vector<16xi32>
        %add3A_298 = arith.addi %add3A_297, %iota3A : vector<16xi32>
        %mul3A_299 = arith.constant 16 : i32
        %mul3A_300 = arith.muli %add3A_294, %mul3A_299 : i32
        %get3A = arith.index_cast %mul3A_300 : i32 to index
        %get3A_301 = tpu.vector_load %arg14[%get3A] {strides = array<i32>} : memref<256xi32, #tpu.memory_space<vmem>>, vector<16xi32>,
        %mul3A_302 = arith.constant 5 : i32
        %mul3A_303 = vector.broadcast %mul3A_302 : i32 to vector<16xi32>
        %mul3A_304 = arith.muli %get3A_301, %mul3A_303 : vector<16xi32>
        %mul3A_305 = arith.constant 16 : i32
        %mul3A_306 = arith.muli %add3A_294, %mul3A_305 : i32
        %get3A_307 = arith.index_cast %mul3A_306 : i32 to index
        %get3A_308 = tpu.vector_load %arg18[%get3A_307] {strides = array<i32>} : memref<256xi32, #tpu.memory_space<vmem>>, vector<16xi32>,
        %mul3A_309 = arith.constant 5 : i32
        %mul3A_310 = vector.broadcast %mul3A_309 : i32 to vector<16xi32>
        %mul3A_311 = arith.muli %get3A_308, %mul3A_310 : vector<16xi32>
        %add3A_312 = arith.constant 0 : i32
        %add3A_313 = vector.broadcast %add3A_312 : i32 to vector<16xi32>
        %add3A_314 = arith.addi %mul3A_304, %add3A_313 : vector<16xi32>
        %gather3A = tpu.vector_load_idx %arg25[%add3A_314] : memref<2000xf32, #tpu.memory_space<vmem>>[vector<16xi32>], vector<16xf32>,
        %broadcast_in_dim3A = arith.constant 50 : i32
        %broadcast_in_dim3A_315 = vector.broadcast %broadcast_in_dim3A : i32 to vector<16xi32>
        tpu.vector_store_idx %arg22[%add3A_298, %broadcast_in_dim3A_315], %gather3A : memref<256x64xf32, #tpu.memory_space<vmem>>[vector<16xi32>, vector<16xi32>], vector<16xf32>,
        %add3A_316 = arith.constant 0 : i32
        %add3A_317 = vector.broadcast %add3A_316 : i32 to vector<16xi32>
        %add3A_318 = arith.addi %mul3A_311, %add3A_317 : vector<16xi32>
        %gather3A_319 = tpu.vector_load_idx %arg26[%add3A_318] : memref<2000xf32, #tpu.memory_space<vmem>>[vector<16xi32>], vector<16xf32>,
        %broadcast_in_dim3A_320 = arith.constant 55 : i32
        %broadcast_in_dim3A_321 = vector.broadcast %broadcast_in_dim3A_320 : i32 to vector<16xi32>
        tpu.vector_store_idx %arg22[%add3A_298, %broadcast_in_dim3A_321], %gather3A_319 : memref<256x64xf32, #tpu.memory_space<vmem>>[vector<16xi32>, vector<16xi32>], vector<16xf32>,
        %add3A_322 = arith.constant 1 : i32
        %add3A_323 = vector.broadcast %add3A_322 : i32 to vector<16xi32>
        %add3A_324 = arith.addi %mul3A_304, %add3A_323 : vector<16xi32>
        %gather3A_325 = tpu.vector_load_idx %arg25[%add3A_324] : memref<2000xf32, #tpu.memory_space<vmem>>[vector<16xi32>], vector<16xf32>,
        %broadcast_in_dim3A_326 = arith.constant 51 : i32
        %broadcast_in_dim3A_327 = vector.broadcast %broadcast_in_dim3A_326 : i32 to vector<16xi32>
        tpu.vector_store_idx %arg22[%add3A_298, %broadcast_in_dim3A_327], %gather3A_325 : memref<256x64xf32, #tpu.memory_space<vmem>>[vector<16xi32>, vector<16xi32>], vector<16xf32>,
        %add3A_328 = arith.constant 1 : i32
        %add3A_329 = vector.broadcast %add3A_328 : i32 to vector<16xi32>
        %add3A_330 = arith.addi %mul3A_311, %add3A_329 : vector<16xi32>
        %gather3A_331 = tpu.vector_load_idx %arg26[%add3A_330] : memref<2000xf32, #tpu.memory_space<vmem>>[vector<16xi32>], vector<16xf32>,
        %broadcast_in_dim3A_332 = arith.constant 56 : i32
        %broadcast_in_dim3A_333 = vector.broadcast %broadcast_in_dim3A_332 : i32 to vector<16xi32>
        tpu.vector_store_idx %arg22[%add3A_298, %broadcast_in_dim3A_333], %gather3A_331 : memref<256x64xf32, #tpu.memory_space<vmem>>[vector<16xi32>, vector<16xi32>], vector<16xf32>,
        %add3A_334 = arith.constant 2 : i32
        %add3A_335 = vector.broadcast %add3A_334 : i32 to vector<16xi32>
        %add3A_336 = arith.addi %mul3A_304, %add3A_335 : vector<16xi32>
        %gather3A_337 = tpu.vector_load_idx %arg25[%add3A_336] : memref<2000xf32, #tpu.memory_space<vmem>>[vector<16xi32>], vector<16xf32>,
        %broadcast_in_dim3A_338 = arith.constant 52 : i32
        %broadcast_in_dim3A_339 = vector.broadcast %broadcast_in_dim3A_338 : i32 to vector<16xi32>
        tpu.vector_store_idx %arg22[%add3A_298, %broadcast_in_dim3A_339], %gather3A_337 : memref<256x64xf32, #tpu.memory_space<vmem>>[vector<16xi32>, vector<16xi32>], vector<16xf32>,
        %add3A_340 = arith.constant 2 : i32
        %add3A_341 = vector.broadcast %add3A_340 : i32 to vector<16xi32>
        %add3A_342 = arith.addi %mul3A_311, %add3A_341 : vector<16xi32>
        %gather3A_343 = tpu.vector_load_idx %arg26[%add3A_342] : memref<2000xf32, #tpu.memory_space<vmem>>[vector<16xi32>], vector<16xf32>,
        %broadcast_in_dim3A_344 = arith.constant 57 : i32
        %broadcast_in_dim3A_345 = vector.broadcast %broadcast_in_dim3A_344 : i32 to vector<16xi32>
        tpu.vector_store_idx %arg22[%add3A_298, %broadcast_in_dim3A_345], %gather3A_343 : memref<256x64xf32, #tpu.memory_space<vmem>>[vector<16xi32>, vector<16xi32>], vector<16xf32>,
        %add3A_346 = arith.constant 3 : i32
        %add3A_347 = vector.broadcast %add3A_346 : i32 to vector<16xi32>
        %add3A_348 = arith.addi %mul3A_304, %add3A_347 : vector<16xi32>
        %gather3A_349 = tpu.vector_load_idx %arg25[%add3A_348] : memref<2000xf32, #tpu.memory_space<vmem>>[vector<16xi32>], vector<16xf32>,
        %broadcast_in_dim3A_350 = arith.constant 53 : i32
        %broadcast_in_dim3A_351 = vector.broadcast %broadcast_in_dim3A_350 : i32 to vector<16xi32>
        tpu.vector_store_idx %arg22[%add3A_298, %broadcast_in_dim3A_351], %gather3A_349 : memref<256x64xf32, #tpu.memory_space<vmem>>[vector<16xi32>, vector<16xi32>], vector<16xf32>,
        %add3A_352 = arith.constant 3 : i32
        %add3A_353 = vector.broadcast %add3A_352 : i32 to vector<16xi32>
        %add3A_354 = arith.addi %mul3A_311, %add3A_353 : vector<16xi32>
        %gather3A_355 = tpu.vector_load_idx %arg26[%add3A_354] : memref<2000xf32, #tpu.memory_space<vmem>>[vector<16xi32>], vector<16xf32>,
        %broadcast_in_dim3A_356 = arith.constant 58 : i32
        %broadcast_in_dim3A_357 = vector.broadcast %broadcast_in_dim3A_356 : i32 to vector<16xi32>
        tpu.vector_store_idx %arg22[%add3A_298, %broadcast_in_dim3A_357], %gather3A_355 : memref<256x64xf32, #tpu.memory_space<vmem>>[vector<16xi32>, vector<16xi32>], vector<16xf32>,
        %add3A_358 = arith.constant 4 : i32
        %add3A_359 = vector.broadcast %add3A_358 : i32 to vector<16xi32>
        %add3A_360 = arith.addi %mul3A_304, %add3A_359 : vector<16xi32>
        %gather3A_361 = tpu.vector_load_idx %arg25[%add3A_360] : memref<2000xf32, #tpu.memory_space<vmem>>[vector<16xi32>], vector<16xf32>,
        %broadcast_in_dim3A_362 = arith.constant 54 : i32
        %broadcast_in_dim3A_363 = vector.broadcast %broadcast_in_dim3A_362 : i32 to vector<16xi32>
        tpu.vector_store_idx %arg22[%add3A_298, %broadcast_in_dim3A_363], %gather3A_361 : memref<256x64xf32, #tpu.memory_space<vmem>>[vector<16xi32>, vector<16xi32>], vector<16xf32>,
        %add3A_364 = arith.constant 4 : i32
        %add3A_365 = vector.broadcast %add3A_364 : i32 to vector<16xi32>
        %add3A_366 = arith.addi %mul3A_311, %add3A_365 : vector<16xi32>
        %gather3A_367 = tpu.vector_load_idx %arg26[%add3A_366] : memref<2000xf32, #tpu.memory_space<vmem>>[vector<16xi32>], vector<16xf32>,
        %broadcast_in_dim3A_368 = arith.constant 59 : i32
        %broadcast_in_dim3A_369 = vector.broadcast %broadcast_in_dim3A_368 : i32 to vector<16xi32>
        tpu.vector_store_idx %arg22[%add3A_298, %broadcast_in_dim3A_369], %gather3A_367 : memref<256x64xf32, #tpu.memory_space<vmem>>[vector<16xi32>, vector<16xi32>], vector<16xf32>,
      }
      %scan3A_194 = arith.constant 16 : i32
      %mul3A_195 = arith.constant 256 : i32
      %mul3A_196 = arith.muli %add3A_183, %mul3A_195 : i32
      %add3A_197 = arith.addi %mul3A_2, %mul3A_196 : i32
      %dma_start3A_198 = arith.constant 0 : i32
      %dma_start3A_199 = tpu.memref_slice %arg8[%add3A_197, %dma_start3A_198] : memref<819200x128xf32, #tpu.memory_space<hbm>> -> memref<256x64xf32, #tpu.memory_space<hbm>>
      %dma_start3A_200 = arith.constant 0 : i32
      %dma_start3A_201 = tpu.memref_slice %arg8[%add3A_197, %dma_start3A_200] : memref<819200x128xf32, #tpu.memory_space<hbm>> -> memref<256x64xf32, #tpu.memory_space<hbm>>
      tpu.enqueue_dma source(%arg22 : memref<256x64xf32, #tpu.memory_space<vmem>>) target(%dma_start3A_201 : memref<256x64xf32, #tpu.memory_space<hbm>>) target_semaphore(%arg32 : memref<!tpu.dma_semaphore, #tpu.memory_space<semaphore_mem>>)
      %add3A_202 = arith.constant 4 : i32
      %add3A_203 = arith.addi %add3A_183, %add3A_202 : i32
      %lt3A_204 = arith.constant 100 : i32
      %lt3A_205 = arith.cmpi slt, %add3A_203, %lt3A_204 : i32
      %convert_element_type3A_206 = arith.extui %lt3A_205 : i1 to i32
      %cond3A_207 = arith.constant 0 : i32
      %cond3A_208 = arith.cmpi ne, %convert_element_type3A_206, %cond3A_207 : i32
      scf.if %cond3A_208 {
        %add3A_290 = arith.constant 4 : i32
        %add3A_291 = arith.addi %add3A_183, %add3A_290 : i32
        %mul3A_292 = arith.constant 256 : i32
        %mul3A_293 = arith.muli %add3A_291, %mul3A_292 : i32
        %add3A_294 = arith.addi %mul3A_2, %mul3A_293 : i32
        %dma_start3A_295 = tpu.memref_slice %arg2[%add3A_294] : memref<819200xi32, #tpu.memory_space<hbm>> -> memref<256xi32, #tpu.memory_space<hbm>>
        %dma_start3A_296 = tpu.memref_slice %arg2[%add3A_294] : memref<819200xi32, #tpu.memory_space<hbm>> -> memref<256xi32, #tpu.memory_space<hbm>>
        tpu.enqueue_dma source(%dma_start3A_296 : memref<256xi32, #tpu.memory_space<hbm>>) target(%arg10 : memref<256xi32, #tpu.memory_space<vmem>>) target_semaphore(%arg36 : memref<!tpu.dma_semaphore, #tpu.memory_space<semaphore_mem>>)
        %dma_start3A_297 = tpu.memref_slice %arg3[%add3A_294] : memref<819200xi32, #tpu.memory_space<hbm>> -> memref<256xi32, #tpu.memory_space<hbm>>
        %dma_start3A_298 = tpu.memref_slice %arg3[%add3A_294] : memref<819200xi32, #tpu.memory_space<hbm>> -> memref<256xi32, #tpu.memory_space<hbm>>
        tpu.enqueue_dma source(%dma_start3A_298 : memref<256xi32, #tpu.memory_space<hbm>>) target(%arg14 : memref<256xi32, #tpu.memory_space<vmem>>) target_semaphore(%arg36 : memref<!tpu.dma_semaphore, #tpu.memory_space<semaphore_mem>>)
        %dma_start3A_299 = tpu.memref_slice %arg4[%add3A_294] : memref<819200xi32, #tpu.memory_space<hbm>> -> memref<256xi32, #tpu.memory_space<hbm>>
        %dma_start3A_300 = tpu.memref_slice %arg4[%add3A_294] : memref<819200xi32, #tpu.memory_space<hbm>> -> memref<256xi32, #tpu.memory_space<hbm>>
        tpu.enqueue_dma source(%dma_start3A_300 : memref<256xi32, #tpu.memory_space<hbm>>) target(%arg18 : memref<256xi32, #tpu.memory_space<vmem>>) target_semaphore(%arg36 : memref<!tpu.dma_semaphore, #tpu.memory_space<semaphore_mem>>)
      } else {
      }
      %add3A_209 = arith.constant 4 : i32
      %add3A_210 = arith.addi %add3A_183, %add3A_209 : i32
      %sub3A_211 = arith.constant 1 : i32
      %sub3A_212 = arith.subi %add3A_210, %sub3A_211 : i32
      %lt3A_213 = arith.constant 100 : i32
      %lt3A_214 = arith.cmpi slt, %sub3A_212, %lt3A_213 : i32
      %convert_element_type3A_215 = arith.extui %lt3A_214 : i1 to i32
      %cond3A_216 = arith.constant 0 : i32
      %cond3A_217 = arith.cmpi ne, %convert_element_type3A_215, %cond3A_216 : i32
      scf.if %cond3A_217 {
        %ge3A = arith.constant 1 : i32
        %ge3A_290 = arith.cmpi sge, %add3A_183, %ge3A : i32
        %convert_element_type3A_291 = arith.extui %ge3A_290 : i1 to i32
        %cond3A_292 = arith.constant 0 : i32
        %cond3A_293 = arith.cmpi ne, %convert_element_type3A_291, %cond3A_292 : i32
        scf.if %cond3A_293 {
          %dma_wait3A_322 = arith.constant 0 : i32
          %dma_wait3A_323 = arith.constant 0 : i32
          %dma_wait3A_324 = tpu.memref_slice %arg8[%dma_wait3A_322, %dma_wait3A_323] : memref<819200x128xf32, #tpu.memory_space<hbm>> -> memref<256x64xf32, #tpu.memory_space<hbm>>
          %dma_wait3A_325 = arith.constant 0 : i32
          %dma_wait3A_326 = arith.constant 0 : i32
          %dma_wait3A_327 = tpu.memref_slice %arg8[%dma_wait3A_325, %dma_wait3A_326] : memref<819200x128xf32, #tpu.memory_space<hbm>> -> memref<256x64xf32, #tpu.memory_space<hbm>>
          tpu.wait_dma2 semaphore(%arg31 : memref<!tpu.dma_semaphore, #tpu.memory_space<semaphore_mem>>) src(%dma_wait3A_327 : memref<256x64xf32, #tpu.memory_space<hbm>>) dst(%arg21 : memref<256x64xf32, #tpu.memory_space<vmem>>)
        } else {
        }
        %dma_wait3A_294 = arith.constant 0 : i32
        %dma_wait3A_295 = tpu.memref_slice %arg2[%dma_wait3A_294] : memref<819200xi32, #tpu.memory_space<hbm>> -> memref<256xi32, #tpu.memory_space<hbm>>
        %dma_wait3A_296 = arith.constant 0 : i32
        %dma_wait3A_297 = tpu.memref_slice %arg2[%dma_wait3A_296] : memref<819200xi32, #tpu.memory_space<hbm>> -> memref<256xi32, #tpu.memory_space<hbm>>
        tpu.wait_dma2 semaphore(%arg35 : memref<!tpu.dma_semaphore, #tpu.memory_space<semaphore_mem>>) src(%dma_wait3A_297 : memref<256xi32, #tpu.memory_space<hbm>>) dst(%arg9 : memref<256xi32, #tpu.memory_space<vmem>>)
        %dma_wait3A_298 = arith.constant 0 : i32
        %dma_wait3A_299 = tpu.memref_slice %arg2[%dma_wait3A_298] : memref<819200xi32, #tpu.memory_space<hbm>> -> memref<256xi32, #tpu.memory_space<hbm>>
        %dma_wait3A_300 = arith.constant 0 : i32
        %dma_wait3A_301 = tpu.memref_slice %arg2[%dma_wait3A_300] : memref<819200xi32, #tpu.memory_space<hbm>> -> memref<256xi32, #tpu.memory_space<hbm>>
        tpu.wait_dma2 semaphore(%arg35 : memref<!tpu.dma_semaphore, #tpu.memory_space<semaphore_mem>>) src(%dma_wait3A_301 : memref<256xi32, #tpu.memory_space<hbm>>) dst(%arg13 : memref<256xi32, #tpu.memory_space<vmem>>)
        %dma_wait3A_302 = arith.constant 0 : i32
        %dma_wait3A_303 = tpu.memref_slice %arg2[%dma_wait3A_302] : memref<819200xi32, #tpu.memory_space<hbm>> -> memref<256xi32, #tpu.memory_space<hbm>>
        %dma_wait3A_304 = arith.constant 0 : i32
        %dma_wait3A_305 = tpu.memref_slice %arg2[%dma_wait3A_304] : memref<819200xi32, #tpu.memory_space<hbm>> -> memref<256xi32, #tpu.memory_space<hbm>>
        tpu.wait_dma2 semaphore(%arg35 : memref<!tpu.dma_semaphore, #tpu.memory_space<semaphore_mem>>) src(%dma_wait3A_305 : memref<256xi32, #tpu.memory_space<hbm>>) dst(%arg17 : memref<256xi32, #tpu.memory_space<vmem>>)
        %dma_start3A_306 = arith.constant 0 : i32
        %dma_start3A_307 = arith.constant 0 : i32
        %dma_start3A_308 = tpu.memref_slice %arg21[%dma_start3A_306, %dma_start3A_307] : memref<256x64xf32, #tpu.memory_space<vmem>> -> memref<128x64xf32, #tpu.memory_space<vmem>>
        %dma_start3A_309 = arith.constant 0 : i32
        %dma_start3A_310 = tpu.memref_slice %arg9[%dma_start3A_309] : memref<256xi32, #tpu.memory_space<vmem>> -> memref<128xi32, #tpu.memory_space<vmem>>
        %dma_start3A_311 = arith.constant 0 : i32
        %dma_start3A_312 = arith.constant 0 : i32
        %dma_start3A_313 = tpu.memref_slice %arg5[%dma_start3A_311, %dma_start3A_312] : memref<100000x64xf32, #tpu.memory_space<hbm>> -> memref<100000x64xf32, #tpu.memory_space<hbm>>
        tpu.enqueue_indirect_dma source(%dma_start3A_313 : memref<100000x64xf32, #tpu.memory_space<hbm>>) target(%dma_start3A_308 : memref<128x64xf32, #tpu.memory_space<vmem>>) offsets(%dma_start3A_310 : memref<128xi32, #tpu.memory_space<vmem>>) semaphore(%arg27 : memref<!tpu.dma_semaphore, #tpu.memory_space<semaphore_mem>>)
        %dma_start3A_314 = arith.constant 128 : i32
        %dma_start3A_315 = arith.constant 0 : i32
        %dma_start3A_316 = tpu.memref_slice %arg21[%dma_start3A_314, %dma_start3A_315] : memref<256x64xf32, #tpu.memory_space<vmem>> -> memref<128x64xf32, #tpu.memory_space<vmem>>
        %dma_start3A_317 = arith.constant 128 : i32
        %dma_start3A_318 = tpu.memref_slice %arg9[%dma_start3A_317] : memref<256xi32, #tpu.memory_space<vmem>> -> memref<128xi32, #tpu.memory_space<vmem>>
        %dma_start3A_319 = arith.constant 0 : i32
        %dma_start3A_320 = arith.constant 0 : i32
        %dma_start3A_321 = tpu.memref_slice %arg5[%dma_start3A_319, %dma_start3A_320] : memref<100000x64xf32, #tpu.memory_space<hbm>> -> memref<100000x64xf32, #tpu.memory_space<hbm>>
        tpu.enqueue_indirect_dma source(%dma_start3A_321 : memref<100000x64xf32, #tpu.memory_space<hbm>>) target(%dma_start3A_316 : memref<128x64xf32, #tpu.memory_space<vmem>>) offsets(%dma_start3A_318 : memref<128xi32, #tpu.memory_space<vmem>>) semaphore(%arg27 : memref<!tpu.dma_semaphore, #tpu.memory_space<semaphore_mem>>)
      } else {
      }
      %add3A_218 = arith.constant 2 : i32
      %add3A_219 = arith.addi %add3A_149, %add3A_218 : i32
      %dma_wait3A_220 = arith.constant 0 : i32
      %dma_wait3A_221 = arith.constant 0 : i32
      %dma_wait3A_222 = tpu.memref_slice %arg5[%dma_wait3A_220, %dma_wait3A_221] : memref<100000x64xf32, #tpu.memory_space<hbm>> -> memref<256x64xf32, #tpu.memory_space<hbm>>
      %dma_wait3A_223 = arith.constant 0 : i32
      %dma_wait3A_224 = arith.constant 0 : i32
      %dma_wait3A_225 = tpu.memref_slice %arg5[%dma_wait3A_223, %dma_wait3A_224] : memref<100000x64xf32, #tpu.memory_space<hbm>> -> memref<256x64xf32, #tpu.memory_space<hbm>>
      tpu.wait_dma2 semaphore(%arg29 : memref<!tpu.dma_semaphore, #tpu.memory_space<semaphore_mem>>) src(%dma_wait3A_225 : memref<256x64xf32, #tpu.memory_space<hbm>>) dst(%arg23 : memref<256x64xf32, #tpu.memory_space<vmem>>)
      %scan3A_226 = arith.constant 0 : i32
      %scan3A_227 = arith.constant 16 : i32
      %scan3A_228 = arith.addi %scan3A_226, %scan3A_227 : i32
      %scan3A_229 = arith.constant 1 : i32
      scf.for %scan3A_290 = %scan3A_226 to %scan3A_228 step %scan3A_229  : i32 {
        %mul3A_291 = arith.constant 1 : i32
        %mul3A_292 = arith.muli %scan3A_290, %mul3A_291 : i32
        %add3A_293 = arith.constant 0 : i32
        %add3A_294 = arith.addi %add3A_293, %mul3A_292 : i32
        %mul3A_295 = arith.constant 16 : i32
        %mul3A_296 = arith.muli %add3A_294, %mul3A_295 : i32
        %add3A_297 = vector.broadcast %mul3A_296 : i32 to vector<16xi32>
        %add3A_298 = arith.addi %add3A_297, %iota3A : vector<16xi32>
        %mul3A_299 = arith.constant 16 : i32
        %mul3A_300 = arith.muli %add3A_294, %mul3A_299 : i32
        %get3A = arith.index_cast %mul3A_300 : i32 to index
        %get3A_301 = tpu.vector_load %arg15[%get3A] {strides = array<i32>} : memref<256xi32, #tpu.memory_space<vmem>>, vector<16xi32>,
        %mul3A_302 = arith.constant 5 : i32
        %mul3A_303 = vector.broadcast %mul3A_302 : i32 to vector<16xi32>
        %mul3A_304 = arith.muli %get3A_301, %mul3A_303 : vector<16xi32>
        %mul3A_305 = arith.constant 16 : i32
        %mul3A_306 = arith.muli %add3A_294, %mul3A_305 : i32
        %get3A_307 = arith.index_cast %mul3A_306 : i32 to index
        %get3A_308 = tpu.vector_load %arg19[%get3A_307] {strides = array<i32>} : memref<256xi32, #tpu.memory_space<vmem>>, vector<16xi32>,
        %mul3A_309 = arith.constant 5 : i32
        %mul3A_310 = vector.broadcast %mul3A_309 : i32 to vector<16xi32>
        %mul3A_311 = arith.muli %get3A_308, %mul3A_310 : vector<16xi32>
        %add3A_312 = arith.constant 0 : i32
        %add3A_313 = vector.broadcast %add3A_312 : i32 to vector<16xi32>
        %add3A_314 = arith.addi %mul3A_304, %add3A_313 : vector<16xi32>
        %gather3A = tpu.vector_load_idx %arg25[%add3A_314] : memref<2000xf32, #tpu.memory_space<vmem>>[vector<16xi32>], vector<16xf32>,
        %broadcast_in_dim3A = arith.constant 50 : i32
        %broadcast_in_dim3A_315 = vector.broadcast %broadcast_in_dim3A : i32 to vector<16xi32>
        tpu.vector_store_idx %arg23[%add3A_298, %broadcast_in_dim3A_315], %gather3A : memref<256x64xf32, #tpu.memory_space<vmem>>[vector<16xi32>, vector<16xi32>], vector<16xf32>,
        %add3A_316 = arith.constant 0 : i32
        %add3A_317 = vector.broadcast %add3A_316 : i32 to vector<16xi32>
        %add3A_318 = arith.addi %mul3A_311, %add3A_317 : vector<16xi32>
        %gather3A_319 = tpu.vector_load_idx %arg26[%add3A_318] : memref<2000xf32, #tpu.memory_space<vmem>>[vector<16xi32>], vector<16xf32>,
        %broadcast_in_dim3A_320 = arith.constant 55 : i32
        %broadcast_in_dim3A_321 = vector.broadcast %broadcast_in_dim3A_320 : i32 to vector<16xi32>
        tpu.vector_store_idx %arg23[%add3A_298, %broadcast_in_dim3A_321], %gather3A_319 : memref<256x64xf32, #tpu.memory_space<vmem>>[vector<16xi32>, vector<16xi32>], vector<16xf32>,
        %add3A_322 = arith.constant 1 : i32
        %add3A_323 = vector.broadcast %add3A_322 : i32 to vector<16xi32>
        %add3A_324 = arith.addi %mul3A_304, %add3A_323 : vector<16xi32>
        %gather3A_325 = tpu.vector_load_idx %arg25[%add3A_324] : memref<2000xf32, #tpu.memory_space<vmem>>[vector<16xi32>], vector<16xf32>,
        %broadcast_in_dim3A_326 = arith.constant 51 : i32
        %broadcast_in_dim3A_327 = vector.broadcast %broadcast_in_dim3A_326 : i32 to vector<16xi32>
        tpu.vector_store_idx %arg23[%add3A_298, %broadcast_in_dim3A_327], %gather3A_325 : memref<256x64xf32, #tpu.memory_space<vmem>>[vector<16xi32>, vector<16xi32>], vector<16xf32>,
        %add3A_328 = arith.constant 1 : i32
        %add3A_329 = vector.broadcast %add3A_328 : i32 to vector<16xi32>
        %add3A_330 = arith.addi %mul3A_311, %add3A_329 : vector<16xi32>
        %gather3A_331 = tpu.vector_load_idx %arg26[%add3A_330] : memref<2000xf32, #tpu.memory_space<vmem>>[vector<16xi32>], vector<16xf32>,
        %broadcast_in_dim3A_332 = arith.constant 56 : i32
        %broadcast_in_dim3A_333 = vector.broadcast %broadcast_in_dim3A_332 : i32 to vector<16xi32>
        tpu.vector_store_idx %arg23[%add3A_298, %broadcast_in_dim3A_333], %gather3A_331 : memref<256x64xf32, #tpu.memory_space<vmem>>[vector<16xi32>, vector<16xi32>], vector<16xf32>,
        %add3A_334 = arith.constant 2 : i32
        %add3A_335 = vector.broadcast %add3A_334 : i32 to vector<16xi32>
        %add3A_336 = arith.addi %mul3A_304, %add3A_335 : vector<16xi32>
        %gather3A_337 = tpu.vector_load_idx %arg25[%add3A_336] : memref<2000xf32, #tpu.memory_space<vmem>>[vector<16xi32>], vector<16xf32>,
        %broadcast_in_dim3A_338 = arith.constant 52 : i32
        %broadcast_in_dim3A_339 = vector.broadcast %broadcast_in_dim3A_338 : i32 to vector<16xi32>
        tpu.vector_store_idx %arg23[%add3A_298, %broadcast_in_dim3A_339], %gather3A_337 : memref<256x64xf32, #tpu.memory_space<vmem>>[vector<16xi32>, vector<16xi32>], vector<16xf32>,
        %add3A_340 = arith.constant 2 : i32
        %add3A_341 = vector.broadcast %add3A_340 : i32 to vector<16xi32>
        %add3A_342 = arith.addi %mul3A_311, %add3A_341 : vector<16xi32>
        %gather3A_343 = tpu.vector_load_idx %arg26[%add3A_342] : memref<2000xf32, #tpu.memory_space<vmem>>[vector<16xi32>], vector<16xf32>,
        %broadcast_in_dim3A_344 = arith.constant 57 : i32
        %broadcast_in_dim3A_345 = vector.broadcast %broadcast_in_dim3A_344 : i32 to vector<16xi32>
        tpu.vector_store_idx %arg23[%add3A_298, %broadcast_in_dim3A_345], %gather3A_343 : memref<256x64xf32, #tpu.memory_space<vmem>>[vector<16xi32>, vector<16xi32>], vector<16xf32>,
        %add3A_346 = arith.constant 3 : i32
        %add3A_347 = vector.broadcast %add3A_346 : i32 to vector<16xi32>
        %add3A_348 = arith.addi %mul3A_304, %add3A_347 : vector<16xi32>
        %gather3A_349 = tpu.vector_load_idx %arg25[%add3A_348] : memref<2000xf32, #tpu.memory_space<vmem>>[vector<16xi32>], vector<16xf32>,
        %broadcast_in_dim3A_350 = arith.constant 53 : i32
        %broadcast_in_dim3A_351 = vector.broadcast %broadcast_in_dim3A_350 : i32 to vector<16xi32>
        tpu.vector_store_idx %arg23[%add3A_298, %broadcast_in_dim3A_351], %gather3A_349 : memref<256x64xf32, #tpu.memory_space<vmem>>[vector<16xi32>, vector<16xi32>], vector<16xf32>,
        %add3A_352 = arith.constant 3 : i32
        %add3A_353 = vector.broadcast %add3A_352 : i32 to vector<16xi32>
        %add3A_354 = arith.addi %mul3A_311, %add3A_353 : vector<16xi32>
        %gather3A_355 = tpu.vector_load_idx %arg26[%add3A_354] : memref<2000xf32, #tpu.memory_space<vmem>>[vector<16xi32>], vector<16xf32>,
        %broadcast_in_dim3A_356 = arith.constant 58 : i32
        %broadcast_in_dim3A_357 = vector.broadcast %broadcast_in_dim3A_356 : i32 to vector<16xi32>
        tpu.vector_store_idx %arg23[%add3A_298, %broadcast_in_dim3A_357], %gather3A_355 : memref<256x64xf32, #tpu.memory_space<vmem>>[vector<16xi32>, vector<16xi32>], vector<16xf32>,
        %add3A_358 = arith.constant 4 : i32
        %add3A_359 = vector.broadcast %add3A_358 : i32 to vector<16xi32>
        %add3A_360 = arith.addi %mul3A_304, %add3A_359 : vector<16xi32>
        %gather3A_361 = tpu.vector_load_idx %arg25[%add3A_360] : memref<2000xf32, #tpu.memory_space<vmem>>[vector<16xi32>], vector<16xf32>,
        %broadcast_in_dim3A_362 = arith.constant 54 : i32
        %broadcast_in_dim3A_363 = vector.broadcast %broadcast_in_dim3A_362 : i32 to vector<16xi32>
        tpu.vector_store_idx %arg23[%add3A_298, %broadcast_in_dim3A_363], %gather3A_361 : memref<256x64xf32, #tpu.memory_space<vmem>>[vector<16xi32>, vector<16xi32>], vector<16xf32>,
        %add3A_364 = arith.constant 4 : i32
        %add3A_365 = vector.broadcast %add3A_364 : i32 to vector<16xi32>
        %add3A_366 = arith.addi %mul3A_311, %add3A_365 : vector<16xi32>
        %gather3A_367 = tpu.vector_load_idx %arg26[%add3A_366] : memref<2000xf32, #tpu.memory_space<vmem>>[vector<16xi32>], vector<16xf32>,
        %broadcast_in_dim3A_368 = arith.constant 59 : i32
        %broadcast_in_dim3A_369 = vector.broadcast %broadcast_in_dim3A_368 : i32 to vector<16xi32>
        tpu.vector_store_idx %arg23[%add3A_298, %broadcast_in_dim3A_369], %gather3A_367 : memref<256x64xf32, #tpu.memory_space<vmem>>[vector<16xi32>, vector<16xi32>], vector<16xf32>,
      }
      %scan3A_230 = arith.constant 16 : i32
      %mul3A_231 = arith.constant 256 : i32
      %mul3A_232 = arith.muli %add3A_219, %mul3A_231 : i32
      %add3A_233 = arith.addi %mul3A_2, %mul3A_232 : i32
      %dma_start3A_234 = arith.constant 0 : i32
      %dma_start3A_235 = tpu.memref_slice %arg8[%add3A_233, %dma_start3A_234] : memref<819200x128xf32, #tpu.memory_space<hbm>> -> memref<256x64xf32, #tpu.memory_space<hbm>>
      %dma_start3A_236 = arith.constant 0 : i32
      %dma_start3A_237 = tpu.memref_slice %arg8[%add3A_233, %dma_start3A_236] : memref<819200x128xf32, #tpu.memory_space<hbm>> -> memref<256x64xf32, #tpu.memory_space<hbm>>
      tpu.enqueue_dma source(%arg23 : memref<256x64xf32, #tpu.memory_space<vmem>>) target(%dma_start3A_237 : memref<256x64xf32, #tpu.memory_space<hbm>>) target_semaphore(%arg33 : memref<!tpu.dma_semaphore, #tpu.memory_space<semaphore_mem>>)
      %add3A_238 = arith.constant 4 : i32
      %add3A_239 = arith.addi %add3A_219, %add3A_238 : i32
      %lt3A_240 = arith.constant 100 : i32
      %lt3A_241 = arith.cmpi slt, %add3A_239, %lt3A_240 : i32
      %convert_element_type3A_242 = arith.extui %lt3A_241 : i1 to i32
      %cond3A_243 = arith.constant 0 : i32
      %cond3A_244 = arith.cmpi ne, %convert_element_type3A_242, %cond3A_243 : i32
      scf.if %cond3A_244 {
        %add3A_290 = arith.constant 4 : i32
        %add3A_291 = arith.addi %add3A_219, %add3A_290 : i32
        %mul3A_292 = arith.constant 256 : i32
        %mul3A_293 = arith.muli %add3A_291, %mul3A_292 : i32
        %add3A_294 = arith.addi %mul3A_2, %mul3A_293 : i32
        %dma_start3A_295 = tpu.memref_slice %arg2[%add3A_294] : memref<819200xi32, #tpu.memory_space<hbm>> -> memref<256xi32, #tpu.memory_space<hbm>>
        %dma_start3A_296 = tpu.memref_slice %arg2[%add3A_294] : memref<819200xi32, #tpu.memory_space<hbm>> -> memref<256xi32, #tpu.memory_space<hbm>>
        tpu.enqueue_dma source(%dma_start3A_296 : memref<256xi32, #tpu.memory_space<hbm>>) target(%arg11 : memref<256xi32, #tpu.memory_space<vmem>>) target_semaphore(%arg37 : memref<!tpu.dma_semaphore, #tpu.memory_space<semaphore_mem>>)
        %dma_start3A_297 = tpu.memref_slice %arg3[%add3A_294] : memref<819200xi32, #tpu.memory_space<hbm>> -> memref<256xi32, #tpu.memory_space<hbm>>
        %dma_start3A_298 = tpu.memref_slice %arg3[%add3A_294] : memref<819200xi32, #tpu.memory_space<hbm>> -> memref<256xi32, #tpu.memory_space<hbm>>
        tpu.enqueue_dma source(%dma_start3A_298 : memref<256xi32, #tpu.memory_space<hbm>>) target(%arg15 : memref<256xi32, #tpu.memory_space<vmem>>) target_semaphore(%arg37 : memref<!tpu.dma_semaphore, #tpu.memory_space<semaphore_mem>>)
        %dma_start3A_299 = tpu.memref_slice %arg4[%add3A_294] : memref<819200xi32, #tpu.memory_space<hbm>> -> memref<256xi32, #tpu.memory_space<hbm>>
        %dma_start3A_300 = tpu.memref_slice %arg4[%add3A_294] : memref<819200xi32, #tpu.memory_space<hbm>> -> memref<256xi32, #tpu.memory_space<hbm>>
        tpu.enqueue_dma source(%dma_start3A_300 : memref<256xi32, #tpu.memory_space<hbm>>) target(%arg19 : memref<256xi32, #tpu.memory_space<vmem>>) target_semaphore(%arg37 : memref<!tpu.dma_semaphore, #tpu.memory_space<semaphore_mem>>)
      } else {
      }
      %add3A_245 = arith.constant 4 : i32
      %add3A_246 = arith.addi %add3A_219, %add3A_245 : i32
      %sub3A_247 = arith.constant 1 : i32
      %sub3A_248 = arith.subi %add3A_246, %sub3A_247 : i32
      %lt3A_249 = arith.constant 100 : i32
      %lt3A_250 = arith.cmpi slt, %sub3A_248, %lt3A_249 : i32
      %convert_element_type3A_251 = arith.extui %lt3A_250 : i1 to i32
      %cond3A_252 = arith.constant 0 : i32
      %cond3A_253 = arith.cmpi ne, %convert_element_type3A_251, %cond3A_252 : i32
      scf.if %cond3A_253 {
        %ge3A = arith.constant 1 : i32
        %ge3A_290 = arith.cmpi sge, %add3A_219, %ge3A : i32
        %convert_element_type3A_291 = arith.extui %ge3A_290 : i1 to i32
        %cond3A_292 = arith.constant 0 : i32
        %cond3A_293 = arith.cmpi ne, %convert_element_type3A_291, %cond3A_292 : i32
        scf.if %cond3A_293 {
          %dma_wait3A_322 = arith.constant 0 : i32
          %dma_wait3A_323 = arith.constant 0 : i32
          %dma_wait3A_324 = tpu.memref_slice %arg8[%dma_wait3A_322, %dma_wait3A_323] : memref<819200x128xf32, #tpu.memory_space<hbm>> -> memref<256x64xf32, #tpu.memory_space<hbm>>
          %dma_wait3A_325 = arith.constant 0 : i32
          %dma_wait3A_326 = arith.constant 0 : i32
          %dma_wait3A_327 = tpu.memref_slice %arg8[%dma_wait3A_325, %dma_wait3A_326] : memref<819200x128xf32, #tpu.memory_space<hbm>> -> memref<256x64xf32, #tpu.memory_space<hbm>>
          tpu.wait_dma2 semaphore(%arg32 : memref<!tpu.dma_semaphore, #tpu.memory_space<semaphore_mem>>) src(%dma_wait3A_327 : memref<256x64xf32, #tpu.memory_space<hbm>>) dst(%arg22 : memref<256x64xf32, #tpu.memory_space<vmem>>)
        } else {
        }
        %dma_wait3A_294 = arith.constant 0 : i32
        %dma_wait3A_295 = tpu.memref_slice %arg2[%dma_wait3A_294] : memref<819200xi32, #tpu.memory_space<hbm>> -> memref<256xi32, #tpu.memory_space<hbm>>
        %dma_wait3A_296 = arith.constant 0 : i32
        %dma_wait3A_297 = tpu.memref_slice %arg2[%dma_wait3A_296] : memref<819200xi32, #tpu.memory_space<hbm>> -> memref<256xi32, #tpu.memory_space<hbm>>
        tpu.wait_dma2 semaphore(%arg36 : memref<!tpu.dma_semaphore, #tpu.memory_space<semaphore_mem>>) src(%dma_wait3A_297 : memref<256xi32, #tpu.memory_space<hbm>>) dst(%arg10 : memref<256xi32, #tpu.memory_space<vmem>>)
        %dma_wait3A_298 = arith.constant 0 : i32
        %dma_wait3A_299 = tpu.memref_slice %arg2[%dma_wait3A_298] : memref<819200xi32, #tpu.memory_space<hbm>> -> memref<256xi32, #tpu.memory_space<hbm>>
        %dma_wait3A_300 = arith.constant 0 : i32
        %dma_wait3A_301 = tpu.memref_slice %arg2[%dma_wait3A_300] : memref<819200xi32, #tpu.memory_space<hbm>> -> memref<256xi32, #tpu.memory_space<hbm>>
        tpu.wait_dma2 semaphore(%arg36 : memref<!tpu.dma_semaphore, #tpu.memory_space<semaphore_mem>>) src(%dma_wait3A_301 : memref<256xi32, #tpu.memory_space<hbm>>) dst(%arg14 : memref<256xi32, #tpu.memory_space<vmem>>)
        %dma_wait3A_302 = arith.constant 0 : i32
        %dma_wait3A_303 = tpu.memref_slice %arg2[%dma_wait3A_302] : memref<819200xi32, #tpu.memory_space<hbm>> -> memref<256xi32, #tpu.memory_space<hbm>>
        %dma_wait3A_304 = arith.constant 0 : i32
        %dma_wait3A_305 = tpu.memref_slice %arg2[%dma_wait3A_304] : memref<819200xi32, #tpu.memory_space<hbm>> -> memref<256xi32, #tpu.memory_space<hbm>>
        tpu.wait_dma2 semaphore(%arg36 : memref<!tpu.dma_semaphore, #tpu.memory_space<semaphore_mem>>) src(%dma_wait3A_305 : memref<256xi32, #tpu.memory_space<hbm>>) dst(%arg18 : memref<256xi32, #tpu.memory_space<vmem>>)
        %dma_start3A_306 = arith.constant 0 : i32
        %dma_start3A_307 = arith.constant 0 : i32
        %dma_start3A_308 = tpu.memref_slice %arg22[%dma_start3A_306, %dma_start3A_307] : memref<256x64xf32, #tpu.memory_space<vmem>> -> memref<128x64xf32, #tpu.memory_space<vmem>>
        %dma_start3A_309 = arith.constant 0 : i32
        %dma_start3A_310 = tpu.memref_slice %arg10[%dma_start3A_309] : memref<256xi32, #tpu.memory_space<vmem>> -> memref<128xi32, #tpu.memory_space<vmem>>
        %dma_start3A_311 = arith.constant 0 : i32
        %dma_start3A_312 = arith.constant 0 : i32
        %dma_start3A_313 = tpu.memref_slice %arg5[%dma_start3A_311, %dma_start3A_312] : memref<100000x64xf32, #tpu.memory_space<hbm>> -> memref<100000x64xf32, #tpu.memory_space<hbm>>
        tpu.enqueue_indirect_dma source(%dma_start3A_313 : memref<100000x64xf32, #tpu.memory_space<hbm>>) target(%dma_start3A_308 : memref<128x64xf32, #tpu.memory_space<vmem>>) offsets(%dma_start3A_310 : memref<128xi32, #tpu.memory_space<vmem>>) semaphore(%arg28 : memref<!tpu.dma_semaphore, #tpu.memory_space<semaphore_mem>>)
        %dma_start3A_314 = arith.constant 128 : i32
        %dma_start3A_315 = arith.constant 0 : i32
        %dma_start3A_316 = tpu.memref_slice %arg22[%dma_start3A_314, %dma_start3A_315] : memref<256x64xf32, #tpu.memory_space<vmem>> -> memref<128x64xf32, #tpu.memory_space<vmem>>
        %dma_start3A_317 = arith.constant 128 : i32
        %dma_start3A_318 = tpu.memref_slice %arg10[%dma_start3A_317] : memref<256xi32, #tpu.memory_space<vmem>> -> memref<128xi32, #tpu.memory_space<vmem>>
        %dma_start3A_319 = arith.constant 0 : i32
        %dma_start3A_320 = arith.constant 0 : i32
        %dma_start3A_321 = tpu.memref_slice %arg5[%dma_start3A_319, %dma_start3A_320] : memref<100000x64xf32, #tpu.memory_space<hbm>> -> memref<100000x64xf32, #tpu.memory_space<hbm>>
        tpu.enqueue_indirect_dma source(%dma_start3A_321 : memref<100000x64xf32, #tpu.memory_space<hbm>>) target(%dma_start3A_316 : memref<128x64xf32, #tpu.memory_space<vmem>>) offsets(%dma_start3A_318 : memref<128xi32, #tpu.memory_space<vmem>>) semaphore(%arg28 : memref<!tpu.dma_semaphore, #tpu.memory_space<semaphore_mem>>)
      } else {
      }
      %add3A_254 = arith.constant 3 : i32
      %add3A_255 = arith.addi %add3A_149, %add3A_254 : i32
      %dma_wait3A_256 = arith.constant 0 : i32
      %dma_wait3A_257 = arith.constant 0 : i32
      %dma_wait3A_258 = tpu.memref_slice %arg5[%dma_wait3A_256, %dma_wait3A_257] : memref<100000x64xf32, #tpu.memory_space<hbm>> -> memref<256x64xf32, #tpu.memory_space<hbm>>
      %dma_wait3A_259 = arith.constant 0 : i32
      %dma_wait3A_260 = arith.constant 0 : i32
      %dma_wait3A_261 = tpu.memref_slice %arg5[%dma_wait3A_259, %dma_wait3A_260] : memref<100000x64xf32, #tpu.memory_space<hbm>> -> memref<256x64xf32, #tpu.memory_space<hbm>>
      tpu.wait_dma2 semaphore(%arg30 : memref<!tpu.dma_semaphore, #tpu.memory_space<semaphore_mem>>) src(%dma_wait3A_261 : memref<256x64xf32, #tpu.memory_space<hbm>>) dst(%arg24 : memref<256x64xf32, #tpu.memory_space<vmem>>)
      %scan3A_262 = arith.constant 0 : i32
      %scan3A_263 = arith.constant 16 : i32
      %scan3A_264 = arith.addi %scan3A_262, %scan3A_263 : i32
      %scan3A_265 = arith.constant 1 : i32
      scf.for %scan3A_290 = %scan3A_262 to %scan3A_264 step %scan3A_265  : i32 {
        %mul3A_291 = arith.constant 1 : i32
        %mul3A_292 = arith.muli %scan3A_290, %mul3A_291 : i32
        %add3A_293 = arith.constant 0 : i32
        %add3A_294 = arith.addi %add3A_293, %mul3A_292 : i32
        %mul3A_295 = arith.constant 16 : i32
        %mul3A_296 = arith.muli %add3A_294, %mul3A_295 : i32
        %add3A_297 = vector.broadcast %mul3A_296 : i32 to vector<16xi32>
        %add3A_298 = arith.addi %add3A_297, %iota3A : vector<16xi32>
        %mul3A_299 = arith.constant 16 : i32
        %mul3A_300 = arith.muli %add3A_294, %mul3A_299 : i32
        %get3A = arith.index_cast %mul3A_300 : i32 to index
        %get3A_301 = tpu.vector_load %arg16[%get3A] {strides = array<i32>} : memref<256xi32, #tpu.memory_space<vmem>>, vector<16xi32>,
        %mul3A_302 = arith.constant 5 : i32
        %mul3A_303 = vector.broadcast %mul3A_302 : i32 to vector<16xi32>
        %mul3A_304 = arith.muli %get3A_301, %mul3A_303 : vector<16xi32>
        %mul3A_305 = arith.constant 16 : i32
        %mul3A_306 = arith.muli %add3A_294, %mul3A_305 : i32
        %get3A_307 = arith.index_cast %mul3A_306 : i32 to index
        %get3A_308 = tpu.vector_load %arg20[%get3A_307] {strides = array<i32>} : memref<256xi32, #tpu.memory_space<vmem>>, vector<16xi32>,
        %mul3A_309 = arith.constant 5 : i32
        %mul3A_310 = vector.broadcast %mul3A_309 : i32 to vector<16xi32>
        %mul3A_311 = arith.muli %get3A_308, %mul3A_310 : vector<16xi32>
        %add3A_312 = arith.constant 0 : i32
        %add3A_313 = vector.broadcast %add3A_312 : i32 to vector<16xi32>
        %add3A_314 = arith.addi %mul3A_304, %add3A_313 : vector<16xi32>
        %gather3A = tpu.vector_load_idx %arg25[%add3A_314] : memref<2000xf32, #tpu.memory_space<vmem>>[vector<16xi32>], vector<16xf32>,
        %broadcast_in_dim3A = arith.constant 50 : i32
        %broadcast_in_dim3A_315 = vector.broadcast %broadcast_in_dim3A : i32 to vector<16xi32>
        tpu.vector_store_idx %arg24[%add3A_298, %broadcast_in_dim3A_315], %gather3A : memref<256x64xf32, #tpu.memory_space<vmem>>[vector<16xi32>, vector<16xi32>], vector<16xf32>,
        %add3A_316 = arith.constant 0 : i32
        %add3A_317 = vector.broadcast %add3A_316 : i32 to vector<16xi32>
        %add3A_318 = arith.addi %mul3A_311, %add3A_317 : vector<16xi32>
        %gather3A_319 = tpu.vector_load_idx %arg26[%add3A_318] : memref<2000xf32, #tpu.memory_space<vmem>>[vector<16xi32>], vector<16xf32>,
        %broadcast_in_dim3A_320 = arith.constant 55 : i32
        %broadcast_in_dim3A_321 = vector.broadcast %broadcast_in_dim3A_320 : i32 to vector<16xi32>
        tpu.vector_store_idx %arg24[%add3A_298, %broadcast_in_dim3A_321], %gather3A_319 : memref<256x64xf32, #tpu.memory_space<vmem>>[vector<16xi32>, vector<16xi32>], vector<16xf32>,
        %add3A_322 = arith.constant 1 : i32
        %add3A_323 = vector.broadcast %add3A_322 : i32 to vector<16xi32>
        %add3A_324 = arith.addi %mul3A_304, %add3A_323 : vector<16xi32>
        %gather3A_325 = tpu.vector_load_idx %arg25[%add3A_324] : memref<2000xf32, #tpu.memory_space<vmem>>[vector<16xi32>], vector<16xf32>,
        %broadcast_in_dim3A_326 = arith.constant 51 : i32
        %broadcast_in_dim3A_327 = vector.broadcast %broadcast_in_dim3A_326 : i32 to vector<16xi32>
        tpu.vector_store_idx %arg24[%add3A_298, %broadcast_in_dim3A_327], %gather3A_325 : memref<256x64xf32, #tpu.memory_space<vmem>>[vector<16xi32>, vector<16xi32>], vector<16xf32>,
        %add3A_328 = arith.constant 1 : i32
        %add3A_329 = vector.broadcast %add3A_328 : i32 to vector<16xi32>
        %add3A_330 = arith.addi %mul3A_311, %add3A_329 : vector<16xi32>
        %gather3A_331 = tpu.vector_load_idx %arg26[%add3A_330] : memref<2000xf32, #tpu.memory_space<vmem>>[vector<16xi32>], vector<16xf32>,
        %broadcast_in_dim3A_332 = arith.constant 56 : i32
        %broadcast_in_dim3A_333 = vector.broadcast %broadcast_in_dim3A_332 : i32 to vector<16xi32>
        tpu.vector_store_idx %arg24[%add3A_298, %broadcast_in_dim3A_333], %gather3A_331 : memref<256x64xf32, #tpu.memory_space<vmem>>[vector<16xi32>, vector<16xi32>], vector<16xf32>,
        %add3A_334 = arith.constant 2 : i32
        %add3A_335 = vector.broadcast %add3A_334 : i32 to vector<16xi32>
        %add3A_336 = arith.addi %mul3A_304, %add3A_335 : vector<16xi32>
        %gather3A_337 = tpu.vector_load_idx %arg25[%add3A_336] : memref<2000xf32, #tpu.memory_space<vmem>>[vector<16xi32>], vector<16xf32>,
        %broadcast_in_dim3A_338 = arith.constant 52 : i32
        %broadcast_in_dim3A_339 = vector.broadcast %broadcast_in_dim3A_338 : i32 to vector<16xi32>
        tpu.vector_store_idx %arg24[%add3A_298, %broadcast_in_dim3A_339], %gather3A_337 : memref<256x64xf32, #tpu.memory_space<vmem>>[vector<16xi32>, vector<16xi32>], vector<16xf32>,
        %add3A_340 = arith.constant 2 : i32
        %add3A_341 = vector.broadcast %add3A_340 : i32 to vector<16xi32>
        %add3A_342 = arith.addi %mul3A_311, %add3A_341 : vector<16xi32>
        %gather3A_343 = tpu.vector_load_idx %arg26[%add3A_342] : memref<2000xf32, #tpu.memory_space<vmem>>[vector<16xi32>], vector<16xf32>,
        %broadcast_in_dim3A_344 = arith.constant 57 : i32
        %broadcast_in_dim3A_345 = vector.broadcast %broadcast_in_dim3A_344 : i32 to vector<16xi32>
        tpu.vector_store_idx %arg24[%add3A_298, %broadcast_in_dim3A_345], %gather3A_343 : memref<256x64xf32, #tpu.memory_space<vmem>>[vector<16xi32>, vector<16xi32>], vector<16xf32>,
        %add3A_346 = arith.constant 3 : i32
        %add3A_347 = vector.broadcast %add3A_346 : i32 to vector<16xi32>
        %add3A_348 = arith.addi %mul3A_304, %add3A_347 : vector<16xi32>
        %gather3A_349 = tpu.vector_load_idx %arg25[%add3A_348] : memref<2000xf32, #tpu.memory_space<vmem>>[vector<16xi32>], vector<16xf32>,
        %broadcast_in_dim3A_350 = arith.constant 53 : i32
        %broadcast_in_dim3A_351 = vector.broadcast %broadcast_in_dim3A_350 : i32 to vector<16xi32>
        tpu.vector_store_idx %arg24[%add3A_298, %broadcast_in_dim3A_351], %gather3A_349 : memref<256x64xf32, #tpu.memory_space<vmem>>[vector<16xi32>, vector<16xi32>], vector<16xf32>,
        %add3A_352 = arith.constant 3 : i32
        %add3A_353 = vector.broadcast %add3A_352 : i32 to vector<16xi32>
        %add3A_354 = arith.addi %mul3A_311, %add3A_353 : vector<16xi32>
        %gather3A_355 = tpu.vector_load_idx %arg26[%add3A_354] : memref<2000xf32, #tpu.memory_space<vmem>>[vector<16xi32>], vector<16xf32>,
        %broadcast_in_dim3A_356 = arith.constant 58 : i32
        %broadcast_in_dim3A_357 = vector.broadcast %broadcast_in_dim3A_356 : i32 to vector<16xi32>
        tpu.vector_store_idx %arg24[%add3A_298, %broadcast_in_dim3A_357], %gather3A_355 : memref<256x64xf32, #tpu.memory_space<vmem>>[vector<16xi32>, vector<16xi32>], vector<16xf32>,
        %add3A_358 = arith.constant 4 : i32
        %add3A_359 = vector.broadcast %add3A_358 : i32 to vector<16xi32>
        %add3A_360 = arith.addi %mul3A_304, %add3A_359 : vector<16xi32>
        %gather3A_361 = tpu.vector_load_idx %arg25[%add3A_360] : memref<2000xf32, #tpu.memory_space<vmem>>[vector<16xi32>], vector<16xf32>,
        %broadcast_in_dim3A_362 = arith.constant 54 : i32
        %broadcast_in_dim3A_363 = vector.broadcast %broadcast_in_dim3A_362 : i32 to vector<16xi32>
        tpu.vector_store_idx %arg24[%add3A_298, %broadcast_in_dim3A_363], %gather3A_361 : memref<256x64xf32, #tpu.memory_space<vmem>>[vector<16xi32>, vector<16xi32>], vector<16xf32>,
        %add3A_364 = arith.constant 4 : i32
        %add3A_365 = vector.broadcast %add3A_364 : i32 to vector<16xi32>
        %add3A_366 = arith.addi %mul3A_311, %add3A_365 : vector<16xi32>
        %gather3A_367 = tpu.vector_load_idx %arg26[%add3A_366] : memref<2000xf32, #tpu.memory_space<vmem>>[vector<16xi32>], vector<16xf32>,
        %broadcast_in_dim3A_368 = arith.constant 59 : i32
        %broadcast_in_dim3A_369 = vector.broadcast %broadcast_in_dim3A_368 : i32 to vector<16xi32>
        tpu.vector_store_idx %arg24[%add3A_298, %broadcast_in_dim3A_369], %gather3A_367 : memref<256x64xf32, #tpu.memory_space<vmem>>[vector<16xi32>, vector<16xi32>], vector<16xf32>,
      }
      %scan3A_266 = arith.constant 16 : i32
      %mul3A_267 = arith.constant 256 : i32
      %mul3A_268 = arith.muli %add3A_255, %mul3A_267 : i32
      %add3A_269 = arith.addi %mul3A_2, %mul3A_268 : i32
      %dma_start3A_270 = arith.constant 0 : i32
      %dma_start3A_271 = tpu.memref_slice %arg8[%add3A_269, %dma_start3A_270] : memref<819200x128xf32, #tpu.memory_space<hbm>> -> memref<256x64xf32, #tpu.memory_space<hbm>>
      %dma_start3A_272 = arith.constant 0 : i32
      %dma_start3A_273 = tpu.memref_slice %arg8[%add3A_269, %dma_start3A_272] : memref<819200x128xf32, #tpu.memory_space<hbm>> -> memref<256x64xf32, #tpu.memory_space<hbm>>
      tpu.enqueue_dma source(%arg24 : memref<256x64xf32, #tpu.memory_space<vmem>>) target(%dma_start3A_273 : memref<256x64xf32, #tpu.memory_space<hbm>>) target_semaphore(%arg34 : memref<!tpu.dma_semaphore, #tpu.memory_space<semaphore_mem>>)
      %add3A_274 = arith.constant 4 : i32
      %add3A_275 = arith.addi %add3A_255, %add3A_274 : i32
      %lt3A_276 = arith.constant 100 : i32
      %lt3A_277 = arith.cmpi slt, %add3A_275, %lt3A_276 : i32
      %convert_element_type3A_278 = arith.extui %lt3A_277 : i1 to i32
      %cond3A_279 = arith.constant 0 : i32
      %cond3A_280 = arith.cmpi ne, %convert_element_type3A_278, %cond3A_279 : i32
      scf.if %cond3A_280 {
        %add3A_290 = arith.constant 4 : i32
        %add3A_291 = arith.addi %add3A_255, %add3A_290 : i32
        %mul3A_292 = arith.constant 256 : i32
        %mul3A_293 = arith.muli %add3A_291, %mul3A_292 : i32
        %add3A_294 = arith.addi %mul3A_2, %mul3A_293 : i32
        %dma_start3A_295 = tpu.memref_slice %arg2[%add3A_294] : memref<819200xi32, #tpu.memory_space<hbm>> -> memref<256xi32, #tpu.memory_space<hbm>>
        %dma_start3A_296 = tpu.memref_slice %arg2[%add3A_294] : memref<819200xi32, #tpu.memory_space<hbm>> -> memref<256xi32, #tpu.memory_space<hbm>>
        tpu.enqueue_dma source(%dma_start3A_296 : memref<256xi32, #tpu.memory_space<hbm>>) target(%arg12 : memref<256xi32, #tpu.memory_space<vmem>>) target_semaphore(%arg38 : memref<!tpu.dma_semaphore, #tpu.memory_space<semaphore_mem>>)
        %dma_start3A_297 = tpu.memref_slice %arg3[%add3A_294] : memref<819200xi32, #tpu.memory_space<hbm>> -> memref<256xi32, #tpu.memory_space<hbm>>
        %dma_start3A_298 = tpu.memref_slice %arg3[%add3A_294] : memref<819200xi32, #tpu.memory_space<hbm>> -> memref<256xi32, #tpu.memory_space<hbm>>
        tpu.enqueue_dma source(%dma_start3A_298 : memref<256xi32, #tpu.memory_space<hbm>>) target(%arg16 : memref<256xi32, #tpu.memory_space<vmem>>) target_semaphore(%arg38 : memref<!tpu.dma_semaphore, #tpu.memory_space<semaphore_mem>>)
        %dma_start3A_299 = tpu.memref_slice %arg4[%add3A_294] : memref<819200xi32, #tpu.memory_space<hbm>> -> memref<256xi32, #tpu.memory_space<hbm>>
        %dma_start3A_300 = tpu.memref_slice %arg4[%add3A_294] : memref<819200xi32, #tpu.memory_space<hbm>> -> memref<256xi32, #tpu.memory_space<hbm>>
        tpu.enqueue_dma source(%dma_start3A_300 : memref<256xi32, #tpu.memory_space<hbm>>) target(%arg20 : memref<256xi32, #tpu.memory_space<vmem>>) target_semaphore(%arg38 : memref<!tpu.dma_semaphore, #tpu.memory_space<semaphore_mem>>)
      } else {
      }
      %add3A_281 = arith.constant 4 : i32
      %add3A_282 = arith.addi %add3A_255, %add3A_281 : i32
      %sub3A_283 = arith.constant 1 : i32
      %sub3A_284 = arith.subi %add3A_282, %sub3A_283 : i32
      %lt3A_285 = arith.constant 100 : i32
      %lt3A_286 = arith.cmpi slt, %sub3A_284, %lt3A_285 : i32
      %convert_element_type3A_287 = arith.extui %lt3A_286 : i1 to i32
      %cond3A_288 = arith.constant 0 : i32
      %cond3A_289 = arith.cmpi ne, %convert_element_type3A_287, %cond3A_288 : i32
      scf.if %cond3A_289 {
        %ge3A = arith.constant 1 : i32
        %ge3A_290 = arith.cmpi sge, %add3A_255, %ge3A : i32
        %convert_element_type3A_291 = arith.extui %ge3A_290 : i1 to i32
        %cond3A_292 = arith.constant 0 : i32
        %cond3A_293 = arith.cmpi ne, %convert_element_type3A_291, %cond3A_292 : i32
        scf.if %cond3A_293 {
          %dma_wait3A_322 = arith.constant 0 : i32
          %dma_wait3A_323 = arith.constant 0 : i32
          %dma_wait3A_324 = tpu.memref_slice %arg8[%dma_wait3A_322, %dma_wait3A_323] : memref<819200x128xf32, #tpu.memory_space<hbm>> -> memref<256x64xf32, #tpu.memory_space<hbm>>
          %dma_wait3A_325 = arith.constant 0 : i32
          %dma_wait3A_326 = arith.constant 0 : i32
          %dma_wait3A_327 = tpu.memref_slice %arg8[%dma_wait3A_325, %dma_wait3A_326] : memref<819200x128xf32, #tpu.memory_space<hbm>> -> memref<256x64xf32, #tpu.memory_space<hbm>>
          tpu.wait_dma2 semaphore(%arg33 : memref<!tpu.dma_semaphore, #tpu.memory_space<semaphore_mem>>) src(%dma_wait3A_327 : memref<256x64xf32, #tpu.memory_space<hbm>>) dst(%arg23 : memref<256x64xf32, #tpu.memory_space<vmem>>)
        } else {
        }
        %dma_wait3A_294 = arith.constant 0 : i32
        %dma_wait3A_295 = tpu.memref_slice %arg2[%dma_wait3A_294] : memref<819200xi32, #tpu.memory_space<hbm>> -> memref<256xi32, #tpu.memory_space<hbm>>
        %dma_wait3A_296 = arith.constant 0 : i32
        %dma_wait3A_297 = tpu.memref_slice %arg2[%dma_wait3A_296] : memref<819200xi32, #tpu.memory_space<hbm>> -> memref<256xi32, #tpu.memory_space<hbm>>
        tpu.wait_dma2 semaphore(%arg37 : memref<!tpu.dma_semaphore, #tpu.memory_space<semaphore_mem>>) src(%dma_wait3A_297 : memref<256xi32, #tpu.memory_space<hbm>>) dst(%arg11 : memref<256xi32, #tpu.memory_space<vmem>>)
        %dma_wait3A_298 = arith.constant 0 : i32
        %dma_wait3A_299 = tpu.memref_slice %arg2[%dma_wait3A_298] : memref<819200xi32, #tpu.memory_space<hbm>> -> memref<256xi32, #tpu.memory_space<hbm>>
        %dma_wait3A_300 = arith.constant 0 : i32
        %dma_wait3A_301 = tpu.memref_slice %arg2[%dma_wait3A_300] : memref<819200xi32, #tpu.memory_space<hbm>> -> memref<256xi32, #tpu.memory_space<hbm>>
        tpu.wait_dma2 semaphore(%arg37 : memref<!tpu.dma_semaphore, #tpu.memory_space<semaphore_mem>>) src(%dma_wait3A_301 : memref<256xi32, #tpu.memory_space<hbm>>) dst(%arg15 : memref<256xi32, #tpu.memory_space<vmem>>)
        %dma_wait3A_302 = arith.constant 0 : i32
        %dma_wait3A_303 = tpu.memref_slice %arg2[%dma_wait3A_302] : memref<819200xi32, #tpu.memory_space<hbm>> -> memref<256xi32, #tpu.memory_space<hbm>>
        %dma_wait3A_304 = arith.constant 0 : i32
        %dma_wait3A_305 = tpu.memref_slice %arg2[%dma_wait3A_304] : memref<819200xi32, #tpu.memory_space<hbm>> -> memref<256xi32, #tpu.memory_space<hbm>>
        tpu.wait_dma2 semaphore(%arg37 : memref<!tpu.dma_semaphore, #tpu.memory_space<semaphore_mem>>) src(%dma_wait3A_305 : memref<256xi32, #tpu.memory_space<hbm>>) dst(%arg19 : memref<256xi32, #tpu.memory_space<vmem>>)
        %dma_start3A_306 = arith.constant 0 : i32
        %dma_start3A_307 = arith.constant 0 : i32
        %dma_start3A_308 = tpu.memref_slice %arg23[%dma_start3A_306, %dma_start3A_307] : memref<256x64xf32, #tpu.memory_space<vmem>> -> memref<128x64xf32, #tpu.memory_space<vmem>>
        %dma_start3A_309 = arith.constant 0 : i32
        %dma_start3A_310 = tpu.memref_slice %arg11[%dma_start3A_309] : memref<256xi32, #tpu.memory_space<vmem>> -> memref<128xi32, #tpu.memory_space<vmem>>
        %dma_start3A_311 = arith.constant 0 : i32
        %dma_start3A_312 = arith.constant 0 : i32
        %dma_start3A_313 = tpu.memref_slice %arg5[%dma_start3A_311, %dma_start3A_312] : memref<100000x64xf32, #tpu.memory_space<hbm>> -> memref<100000x64xf32, #tpu.memory_space<hbm>>
        tpu.enqueue_indirect_dma source(%dma_start3A_313 : memref<100000x64xf32, #tpu.memory_space<hbm>>) target(%dma_start3A_308 : memref<128x64xf32, #tpu.memory_space<vmem>>) offsets(%dma_start3A_310 : memref<128xi32, #tpu.memory_space<vmem>>) semaphore(%arg29 : memref<!tpu.dma_semaphore, #tpu.memory_space<semaphore_mem>>)
        %dma_start3A_314 = arith.constant 128 : i32
        %dma_start3A_315 = arith.constant 0 : i32
        %dma_start3A_316 = tpu.memref_slice %arg23[%dma_start3A_314, %dma_start3A_315] : memref<256x64xf32, #tpu.memory_space<vmem>> -> memref<128x64xf32, #tpu.memory_space<vmem>>
        %dma_start3A_317 = arith.constant 128 : i32
        %dma_start3A_318 = tpu.memref_slice %arg11[%dma_start3A_317] : memref<256xi32, #tpu.memory_space<vmem>> -> memref<128xi32, #tpu.memory_space<vmem>>
        %dma_start3A_319 = arith.constant 0 : i32
        %dma_start3A_320 = arith.constant 0 : i32
        %dma_start3A_321 = tpu.memref_slice %arg5[%dma_start3A_319, %dma_start3A_320] : memref<100000x64xf32, #tpu.memory_space<hbm>> -> memref<100000x64xf32, #tpu.memory_space<hbm>>
        tpu.enqueue_indirect_dma source(%dma_start3A_321 : memref<100000x64xf32, #tpu.memory_space<hbm>>) target(%dma_start3A_316 : memref<128x64xf32, #tpu.memory_space<vmem>>) offsets(%dma_start3A_318 : memref<128xi32, #tpu.memory_space<vmem>>) semaphore(%arg29 : memref<!tpu.dma_semaphore, #tpu.memory_space<semaphore_mem>>)
      } else {
      }
    }
    %scan3A_120 = arith.constant 25 : i32
    %dma_wait3A_121 = arith.constant 0 : i32
    %dma_wait3A_122 = arith.constant 0 : i32
    %dma_wait3A_123 = tpu.memref_slice %arg8[%dma_wait3A_121, %dma_wait3A_122] : memref<819200x128xf32, #tpu.memory_space<hbm>> -> memref<256x64xf32, #tpu.memory_space<hbm>>
    %dma_wait3A_124 = arith.constant 0 : i32
    %dma_wait3A_125 = arith.constant 0 : i32
    %dma_wait3A_126 = tpu.memref_slice %arg8[%dma_wait3A_124, %dma_wait3A_125] : memref<819200x128xf32, #tpu.memory_space<hbm>> -> memref<256x64xf32, #tpu.memory_space<hbm>>
    tpu.wait_dma2 semaphore(%arg31 : memref<!tpu.dma_semaphore, #tpu.memory_space<semaphore_mem>>) src(%dma_wait3A_126 : memref<256x64xf32, #tpu.memory_space<hbm>>) dst(%arg21 : memref<256x64xf32, #tpu.memory_space<vmem>>)
    %dma_wait3A_127 = arith.constant 0 : i32
    %dma_wait3A_128 = arith.constant 0 : i32
    %dma_wait3A_129 = tpu.memref_slice %arg8[%dma_wait3A_127, %dma_wait3A_128] : memref<819200x128xf32, #tpu.memory_space<hbm>> -> memref<256x64xf32, #tpu.memory_space<hbm>>
    %dma_wait3A_130 = arith.constant 0 : i32
    %dma_wait3A_131 = arith.constant 0 : i32
    %dma_wait3A_132 = tpu.memref_slice %arg8[%dma_wait3A_130, %dma_wait3A_131] : memref<819200x128xf32, #tpu.memory_space<hbm>> -> memref<256x64xf32, #tpu.memory_space<hbm>>
    tpu.wait_dma2 semaphore(%arg32 : memref<!tpu.dma_semaphore, #tpu.memory_space<semaphore_mem>>) src(%dma_wait3A_132 : memref<256x64xf32, #tpu.memory_space<hbm>>) dst(%arg22 : memref<256x64xf32, #tpu.memory_space<vmem>>)
    %dma_wait3A_133 = arith.constant 0 : i32
    %dma_wait3A_134 = arith.constant 0 : i32
    %dma_wait3A_135 = tpu.memref_slice %arg8[%dma_wait3A_133, %dma_wait3A_134] : memref<819200x128xf32, #tpu.memory_space<hbm>> -> memref<256x64xf32, #tpu.memory_space<hbm>>
    %dma_wait3A_136 = arith.constant 0 : i32
    %dma_wait3A_137 = arith.constant 0 : i32
    %dma_wait3A_138 = tpu.memref_slice %arg8[%dma_wait3A_136, %dma_wait3A_137] : memref<819200x128xf32, #tpu.memory_space<hbm>> -> memref<256x64xf32, #tpu.memory_space<hbm>>
    tpu.wait_dma2 semaphore(%arg33 : memref<!tpu.dma_semaphore, #tpu.memory_space<semaphore_mem>>) src(%dma_wait3A_138 : memref<256x64xf32, #tpu.memory_space<hbm>>) dst(%arg23 : memref<256x64xf32, #tpu.memory_space<vmem>>)
    %dma_wait3A_139 = arith.constant 0 : i32
    %dma_wait3A_140 = arith.constant 0 : i32
    %dma_wait3A_141 = tpu.memref_slice %arg8[%dma_wait3A_139, %dma_wait3A_140] : memref<819200x128xf32, #tpu.memory_space<hbm>> -> memref<256x64xf32, #tpu.memory_space<hbm>>
    %dma_wait3A_142 = arith.constant 0 : i32
    %dma_wait3A_143 = arith.constant 0 : i32
    %dma_wait3A_144 = tpu.memref_slice %arg8[%dma_wait3A_142, %dma_wait3A_143] : memref<819200x128xf32, #tpu.memory_space<hbm>> -> memref<256x64xf32, #tpu.memory_space<hbm>>
    tpu.wait_dma2 semaphore(%arg34 : memref<!tpu.dma_semaphore, #tpu.memory_space<semaphore_mem>>) src(%dma_wait3A_144 : memref<256x64xf32, #tpu.memory_space<hbm>>) dst(%arg24 : memref<256x64xf32, #tpu.memory_space<vmem>>)
    return
  }
}

</mosaic_0001>

<sc_bundles>
// kernel: kernel.3.cloned.1.call-start
scs
__scs_entry_jumppad:
0x0: {  	(pc) =	sbr.rel $0x88, $3  }
0x1: {  	(tag) =	ssettag $0x0;
	lr =	simm.s32 $0x1  }
0x2: {  	[smem:$0x3F9B] =	sst lr;
	_ =	strace $0xD0000000  }
0x3: {  	_ = 	snop  }
0x4: {  	_ = 	snop  }
0x5: {  	_ = 	snop  }
0x6: {  	_ = 	snop  }
0x7: {  	_ = 	snop  }
__scs_overlays_trampoline_lowered:
0x8: {  	[smem:$0x3FAA] =	sst s0  }
0x9: {  	[smem:$0x3FAB] =	sst s1  }
0xa: {  	[smem:$0x3FAC] =	sst s2  }
0xb: {  	[smem:$0x3FAD] =	sst s3  }
0xc: {  	[smem:$0x3FAE] =	sst s4  }
0xd: {  	[smem:$0x3FAF] =	sst s5  }
0xe: {  	[smem:$0x3FB0] =	sst s6  }
0xf: {  	[smem:$0x3FB1] =	sst s7  }
0x10: {  	[smem:$0x3FB2] =	sst s8  }
0x11: {  	[smem:$0x3FB3] =	sst s9;
	s0 =	simm.s32 @!p0 $0x0  }
0x12: {  	s1 =	sld [smem:$0x3F99];
	s0 =	simm.s32 @p0 $0x1  }
0x13: {  	[smem:$0x3FB4] =	sst s0;
	s0 =	simm.s32 @!p1 $0x0  }
0x14: {  	s2 =	sld [smem:$0x3F98];
	s0 =	simm.s32 @p1 $0x1  }
0x15: {  	[smem:$0x3FB5] =	sst s0;
	s0 =	simm.s32 @!p2 $0x0  }
0x16: {  	s3 =	sld [smem:$0x3FDB];
	s0 =	simm.s32 @p2 $0x1  }
0x17: {  	s4 =	simm.s32 $0x1BF5;
	[smem:$0x3FB7] =	sst s0  }
0x18: {  	s0 =	sld [smem:$0x3F9A];
	_ =	swait.ge [sflag:s4], $0x0  }
0x19: {  	s7 =	sld [smem:$0x3F9B]  }
0x1a: {  	s8 =	sadd.s32 $0xFFFFE003, lr  }
0x1b: {  	s9 =	sadd.s32 $0xFFFFFEF7, lr;
	s5 =	simm.s32 $0xFFFFFFFF;
	p2 =	slt.u32 s8, $0xFFFFF086  }
0x1c: {  	p1 =	slt.u32 s9, $0xF7A;
	s5 =	simm.s32 @!p2 $0x0  }
0x1d: {  	s5 =	simm.s32 @p1 $0x1;
	p0 =	seq.s32 s7, s2  }
0x1e: {  	s7 =	smul.u32 @!p0 $0xF7A, s2;
	p2 =	seq.s32 @!p0 s5, $0x0  }
0x1f: {  	s9 =	smul.u32 $0xF7A, s1;
	s8 =	simm.s32 @!p0 $0x1BF5;
	p2 =	por !p2, p0  }
0x20: {  	[sflag:s8] =	ssyncset.s32 @!p0 $0xFFFFF086;
	s6 =	sadd.s32 @!p0 s3, s7;
	s7 =	simm.s32 @!p0 $0x108  }
0x21: {  	s3 =	sadd.s32 s3, s9;
	s6 =	sadd.s32 @!p0 $0x88, s6;
	s7 =	simm.s32 @p2 $0x1082  }
0x22: {  	[simem:s7], [sflag:s8] =	dma.local @!p0 [hbm:s6], $0xF7A  }
0x23: {  	s9 =	sor.u32 $0xD0000000, s2;
	s6 =	simm.s32 $0x108;
	_ =	swait.ge @!p0 [sflag:s8], $0x0  }
0x24: {  	s3 =	sadd.s32 $0x88, s3;
	s6 =	simm.s32 @!p1 $0x1082;
	[sflag:s4] =	ssyncset.s32 $0xFFFFF086  }
0x25: {  	[simem:s6], [sflag:s4] =	dma.local [hbm:s3], $0xF7A  }
0x26: {  	[smem:$0x3F9B] =	sst s1;
	(tag) =	ssettag s2;
	_ =	strace s9  }
0x27: {  	s1 =	sld [smem:$0x3FAB]  }
0x28: {  	s2 =	sld [smem:$0x3FAC]  }
0x29: {  	s4 =	sld [smem:$0x3FAE]  }
0x2a: {  	p0 =	seq.s32 s5, $0x0;
	s5 =	sld [smem:$0x3FAF]  }
0x2b: {  	s6 =	sld [smem:$0x3FB0]  }
0x2c: {  	s7 =	sld [smem:$0x3FB1]  }
0x2d: {  	s3 =	simm.s32 $0x108;
	s8 =	sld [smem:$0x3FB2]  }
0x2e: {  	s3 =	simm.s32 @!p0 $0x1082;
	s9 =	sld [smem:$0x3FB3]  }
0x2f: {  	lr =	sadd.s32 s0, s3;
	s0 =	sld [smem:$0x3FAA]  }
0x30: {  	s3 =	sld [smem:$0x3FAD]  }
0x31: {  	[smem:$0x3FB6] =	sst s10  }
0x32: {  	s10 =	sld [smem:$0x3FB4];
	_ =	sdelay $0x3  }
0x33: {  	p0 =	seq.s32 s10, $0x1;
	s10 =	sld [smem:$0x3FB6];
	_ =	sdelay $0x3  }
0x34: {  	[smem:$0x3FB6] =	sst s10  }
0x35: {  	s10 =	sld [smem:$0x3FB5];
	_ =	sdelay $0x3  }
0x36: {  	p1 =	seq.s32 s10, $0x1;
	s10 =	sld [smem:$0x3FB6];
	_ =	sdelay $0x3  }
0x37: {  	[smem:$0x3FB6] =	sst s10  }
0x38: {  	s10 =	sld [smem:$0x3FB7]  }
0x39: {  	_ = 	snop;
	(pc) =	sbr.ind lr, $3  }
0x3a: {  	_ = 	snop  }
0x3b: {  	_ = 	snop  }
0x3c: {  	p2 =	seq.s32 s10, $0x1;
	s10 =	sld [smem:$0x3FB6]  }
0x3d: {  	_ =	shalt  }
0x3e: {  	_ =	shalt  }
0x3f: {  	_ =	shalt  }
0x40: {  	_ =	shalt  }
0x41: {  	_ =	shalt  }
0x42: {  	_ =	shalt  }
0x43: {  	_ =	shalt  }
0x44: {  	_ =	shalt  }
0x45: {  	_ =	shalt  }
0x46: {  	_ =	shalt  }
0x47: {  	_ =	shalt  }
0x48: {  	_ =	shalt  }
0x49: {  	_ =	shalt  }
0x4a: {  	_ =	shalt  }
0x4b: {  	_ =	shalt  }
0x4c: {  	_ =	shalt  }
0x4d: {  	_ =	shalt  }
0x4e: {  	_ =	shalt  }
0x4f: {  	_ =	shalt  }
0x50: {  	_ =	shalt  }
0x51: {  	_ =	shalt  }
0x52: {  	_ =	shalt  }
0x53: {  	_ =	shalt  }
0x54: {  	_ =	shalt  }
0x55: {  	_ =	shalt  }
0x56: {  	_ =	shalt  }
0x57: {  	_ =	shalt  }
0x58: {  	_ =	shalt  }
0x59: {  	_ =	shalt  }
0x5a: {  	_ =	shalt  }
0x5b: {  	_ =	shalt  }
0x5c: {  	_ =	shalt  }
0x5d: {  	_ =	shalt  }
0x5e: {  	_ =	shalt  }
0x5f: {  	_ =	shalt  }
0x60: {  	_ =	shalt  }
0x61: {  	_ =	shalt  }
0x62: {  	_ =	shalt  }
0x63: {  	_ =	shalt  }
0x64: {  	_ =	shalt  }
0x65: {  	_ =	shalt  }
0x66: {  	_ =	shalt  }
0x67: {  	_ =	shalt  }
0x68: {  	_ =	shalt  }
0x69: {  	_ =	shalt  }
0x6a: {  	_ =	shalt  }
0x6b: {  	_ =	shalt  }
0x6c: {  	_ =	shalt  }
0x6d: {  	_ =	shalt  }
0x6e: {  	_ =	shalt  }
0x6f: {  	_ =	shalt  }
0x70: {  	_ =	shalt  }
0x71: {  	_ =	shalt  }
0x72: {  	_ =	shalt  }
0x73: {  	_ =	shalt  }
0x74: {  	_ =	shalt  }
0x75: {  	_ =	shalt  }
0x76: {  	_ =	shalt  }
0x77: {  	_ =	shalt  }
0x78: {  	_ =	shalt  }
0x79: {  	_ =	shalt  }
0x7a: {  	_ =	shalt  }
0x7b: {  	_ =	shalt  }
0x7c: {  	_ =	shalt  }
0x7d: {  	_ =	shalt  }
0x7e: {  	_ =	shalt  }
0x7f: {  	_ =	shalt  }
0x80: {  	_ =	shalt  }
0x81: {  	_ =	shalt  }
0x82: {  	_ =	shalt  }
0x83: {  	_ =	shalt  }
0x84: {  	_ =	shalt  }
0x85: {  	_ =	shalt  }
0x86: {  	_ =	shalt  }
0x87: {  	_ =	shalt  }
.Lfunc_end0:
.L_simem_size_0:
called_computation.1_lowered:
.L_overlay_start_0:
0x88: {  	s2 =	sld [smem:$0x3FD9]  }
0x89: {  	s3 =	sld [smem:$0x3FFE];
	_ =	sdelay $0x1  }
0x8a: {  	s1 =	srdreg.scid  }
0x8b: {  	s0 =	sand.u32 $0x1, s1  }
0x8c: {  	s17 =	sshll.u32 s0, $0xA;
	s2 =	sadd.s32 s3, s2  }
0x8d: {  	s2 =	sadd.s32 s2, s17  }
0x8e: {  	[smem:$0x3FC2] =	sst s2  }
0x8f: {  	_ = 	snop  }
0x90: {  	s2 =	sld [smem:$0x3FD0];
	(tm) =	ssettm $0x1  }
0x91: {  	s18 =	sld [smem:$0x3FFB];
	_ =	sdelay $0x3  }
0x92: {  	_ =	strace s18  }
0x93: {  	s3 =	sld [smem:$0x3FFC];
	_ =	sdelay $0x3  }
0x94: {  	_ =	strace s3  }
0x95: {  	s3 =	sld [smem:$0x3FFD];
	_ =	sdelay $0x3  }
0x96: {  	_ =	strace s3  }
0x97: {  	_ =	strace $0x8FFFFFFF  }
0x98: {  	s19 =	sld [smem:$0x3FDB];
	_ =	sdelay $0x1  }
0x99: {  	s4 =	simm.s32 $_scs_section_size  }
0x9a: {  	s5 =	simm.s32 $_size__tile_overlayer_lowered;
	s6 =	simm.s32 $_tile_overlayer_lowered  }
0x9b: {  	s22 =	simm.s32 $0x1BFF;
	s21 =	sshll.u32 s6, $0x1;
	s3 =	sadd.s32 s4, s19  }
0x9c: {  	s7 =	simm.s32 $0x0;
	s20 =	sshll.u32 s5, $0x1;
	s5 =	sadd.s32 s21, s3  }
0x9d: {  	[timem:s7], [sflag:s22] =	dma.local [hbm:s5], s20  }
0x9e: {  	_ =	swait.ge [sflag:s22], s20  }
0x9f: {  	s4 =	ssub.s32 $0x0, s20;
	[sflag:s22] =	ssyncset.done $0x0  }
0xa0: {  	[sflag:s22] =	ssyncadd.s32 s4;
	_ =	sdelay $0x1  }
0xa1: {  	s23 =	simm.s32 $0x1B8B  }
0xa2: {  	_ =	swait.ge [sflag:s23], $0x1  }
0xa3: {  	[sflag:s23] =	ssyncset.done $0x0  }
0xa4: {  	s25 =	simm.s32 $0x1B8E;
	s24 =	sld [smem:$0x3FFE];
	[sflag:s23] =	ssyncadd.s32 $0xFFFFFFFF  }
0xa5: {  	s26 =	simm.s32 $execute0_lowered;
	[smem:$0x3FD2] =	sst s25  }
0xa6: {  	s5 =	sshll.u32 s26, $0x1;
	_ =	strace $0x80000046;
	[dreg:$0x1] =	wrdreg $0xFFFFFFFF  }
0xa7: {  	s28 =	simm.s32 $_size_execute0_lowered;
	s3 =	sadd.s32 s3, s5;
	[dreg:$0x0] =	wrdreg $0x0  }
0xa8: {  	s5 =	sshll.u32 s28, $0x1;
	[dreg:$0x2] =	wrdreg s3  }
0xa9: {  	[dreg:$0x3] =	wrdreg s5  }
0xaa: {  	[dreg:$0x4] =	wrdreg $0xC0  }
0xab: {  	_ =	task [dreg:s7], $0x5FFFF  }
0xac: {  	[dreg:$0x1] =	wrdreg $0xFFFFFFFF  }
0xad: {  	[dreg:$0x0] =	wrdreg $0x60  }
0xae: {  	[dreg:$0x2] =	wrdreg s24  }
0xaf: {  	[dreg:$0x3] =	wrdreg s2  }
0xb0: {  	[dreg:$0x4] =	wrdreg $0x9  }
0xb1: {  	_ =	task.clear_ibuf [dreg:s7], $0x5FFFF;
	_ =	strace $0x90000046  }
0xb2: {  	s29 =	simm.s32 $0x9;
	_ =	strace $0x80000048  }
0xb3: {  	_ =	swait.ge [sflag:s29], $0x1  }
0xb4: {  	[sflag:s29] =	ssyncadd.s32 $0xFFFFFFFF  }
0xb5: {  	_ =	strace $0x90000048  }
0xb6: {  	_ =	sfence  }
0xb7: {  	s30 =	sld [smem:$0x0];
	_ =	sdelay $0x2  }
0xb8: {  	s31 =	sshll.u32 s1, $0xD;
	s1 =	sshrl.u32 s1, $0x2  }
0xb9: {  	s3 =	sand.u32 $0x4000, s31;
	s1 =	sadd.s32 s1, s30  }
0xba: {  	s0 =	sor.u32 s3, s0;
	s1 =	sshll.u32 s1, $0x11  }
0xbb: {  	s0 =	sor.u32 s1, s0  }
0xbc: {  	s0 =	sadd.s32 $0x8F2B, s0  }
0xbd: {  	[sflag:s0] =	ssyncadd.remote.s32 $0x1  }
0xbe: {  	_ =	sfence.sel $0xFFFF  }
0xbf: {  	[dreg:$0x0] =	wrdreg $0xFFFFFFFF;
	(pc) =	sbr.abs _section_cstart, $3  }
0xc0: {  	[dreg:$0x1] =	wrdreg $0xFFFFFFFF  }
0xc1: {  	_ =	task.clear_ibuf [dreg:s7], $0x2FFFF;
	_ =	strace $0x9FFFFFFF  }
0xc2: {  	(tm) =	ssettm $0x7FFFFFFF  }
0xc3: {  	_ =	shalt  }
tec
execute0_lowered:
.L_overlay_start_1:
0x0: {  	(tag) =	ssettag $0x1  }
0x1: {  	s0 =	rddreg [dreg:$0x0]  }
0x2: {  	s2 =	rddreg [dreg:$0x1];
	s3 =	simm.s32 $0x0  }
0x3: {  	s1 =	srdreg.scid;
	s4 =	stileid.u32;
	s28 =	simm.s32 $0x1  }
0x4: {  	[smem:$0x7FF] =	sst s3;
	s1 =	sand.u32 $0x1, s1;
	s4 =	sshll.u32 s4, $0x1  }
0x5: {  	s5 =	sadd.s32 $0x1B800, s0;
	s6 =	sadd.s32 $0x34800, s0;
	s7 =	sor.u32 s1, s4  }
0x6: {  	s9 =	sadd.s32 $0x2400, s0;
	s25 =	sadd.s32 $0x2600, s0;
	s8 =	smul.u32 $0x6400, s7  }
0x7: {  	_ =	strace $0x80000047;
	s4 =	sadd.s32 $0x2800, s0;
	[dreg:$0x3] =	wrdreg s9  }
0x8: {  	s1 =	ssub.s32 $0x2, s1;
	[dreg:$0x4] =	wrdreg s25;
	s22 =	sadd.s32 $0x400, s8  }
0x9: {  	s10 =	sshrl.u32 s1, $0x1;
	s23 =	sadd.s32 $0x500, s8;
	[dreg:$0x11] =	wrdreg s22  }
0xa: {  	s21 =	smul.u32 $0x320000, s7;
	s24 =	sadd.s32 $0x600, s8;
	[dreg:$0x12] =	wrdreg s23  }
0xb: {  	s26 =	ssub.s32 s1, s10;
	s25 =	sadd.s32 $0x700, s8;
	[dreg:$0x13] =	wrdreg s24  }
0xc: {  	s9 =	sadd.s32 $0x4D800, s0;
	s0 =	smax.u32 s26, $0x1;
	[dreg:$0x14] =	wrdreg s25  }
0xd: {  	s11 =	sshrl.u32 s8, $0x3;
	s26 =	sor.u32 $0x8000, s21;
	[dreg:$0x15] =	wrdreg s0  }
0xe: {  	s7 =	simm.s32 $0x113D0;
	s29 =	sadd.s32 s4, s11;
	[dreg:$0x16] =	wrdreg s26  }
0xf: {  	s31 =	smov.u32 s21;
	s30 =	sadd.s32 s5, s11;
	[dreg:$0x5] =	wrdreg s29  }
0x10: {  	s10 =	sadd.s32 s6, s11;
	s12 =	sor.u32 $0x20, s11;
	[dreg:$0x6] =	wrdreg s30  }
0x11: {  	s8 =	simm.s32 $0x2;
	[dreg:$0x7] =	wrdreg s10;
	s13 =	sadd.s32 s4, s12  }
0x12: {  	s15 =	sor.u32 $0x40, s11;
	s14 =	sadd.s32 s5, s12;
	[dreg:$0x8] =	wrdreg s13  }
0x13: {  	s17 =	sor.u32 $0x60, s11;
	s1 =	sadd.s32 s6, s12;
	[dreg:$0x9] =	wrdreg s14  }
0x14: {  	s0 =	simm.s32 $0x10C00;
	s16 =	sadd.s32 s4, s15;
	[dreg:$0xa] =	wrdreg s1  }
0x15: {  	s11 =	simm.s32 $0x300;
	s18 =	sadd.s32 s5, s15;
	[dreg:$0xb] =	wrdreg s16  }
0x16: {  	s23 =	simm.s32 $0x0;
	s10 =	sadd.s32 s6, s15;
	[dreg:$0xc] =	wrdreg s18  }
0x17: {  	s19 =	sadd.s32 s4, s17;
	s20 =	sadd.s32 s5, s17;
	[dreg:$0xd] =	wrdreg s10  }
0x18: {  	s29 =	sor.u32 $0x10000, s21;
	s30 =	sor.u32 $0x18000, s21;
	[dreg:$0xe] =	wrdreg s19  }
0x19: {  	s15 =	simm.s32 $0x80;
	s21 =	simm.s32 $0x3;
	[dreg:$0xf] =	wrdreg s20  }
.Ltmp0:
0x1a: {  	s12 =	simm.s32 $0x4;
	[dreg:$0x17] =	wrdreg s29;
	(pc) =	sbr.rel .LBB2_1-.Ltmp0, $4  }
0x1b: {  	s1 =	sadd.s32 s6, s17;
	[dreg:$0x18] =	wrdreg s30;
	s16 =	simm.s32 $0xC00  }
0x1c: {  	s18 =	simm.s32 $0x4C00;
	s19 =	simm.s32 $0xB;
	s20 =	simm.s32 $0x8C00  }
0x1d: {  	v0 =	vlaneseq.u32;
	s14 =	simm.s32 $0xC;
	s17 =	simm.s32 $0xCC00;
	s13 =	simm.s32 $0x7  }
0x1e: {  	v0 =	vmul.u32 $0x40, v0;
	s10 =	simm.s32 $0x8;
	[dreg:$0x10] =	wrdreg s1;
	s1 =	simm.s32 $0x40  }
.LBB2_12:
0x1f: {  	s22 =	simm.s32 $0x5  }
0x20: {  	_ =	swait.ge [sflag:s22], $0x4000  }
0x21: {  	[sflag:s22] =	ssyncset.done $0x0  }
0x22: {  	s29 =	simm.s32 $0x6;
	[sflag:s22] =	ssyncadd.s32 $0xFFFFC000  }
0x23: {  	_ =	swait.ge [sflag:s29], $0x4000  }
0x24: {  	[sflag:s29] =	ssyncset.done $0x0  }
0x25: {  	[sflag:s29] =	ssyncadd.s32 $0xFFFFC000  }
0x26: {  	_ =	swait.ge [sflag:s13], $0x4000  }
0x27: {  	[sflag:s13] =	ssyncset.done $0x0  }
0x28: {  	[sflag:s13] =	ssyncadd.s32 $0xFFFFC000  }
0x29: {  	_ =	swait.ge [sflag:s10], $0x4000  }
0x2a: {  	s23 =	rddreg [dreg:$0x19]  }
0x2b: {  	s30 =	rddreg [dreg:$0x15];
	s23 =	sadd.s32 $0x1, s23  }
0x2c: {  	p0 =	sne.s32 s23, s30  }
.Ltmp1:
0x2d: {  	_ = 	snop;
	(pc) =	sbr.rel @!p0 .LBB2_13-.Ltmp1, $3  }
0x2e: {  	_ =	sdelay $0x1  }
0x2f: {  	[sflag:s10] =	ssyncset.done $0x0  }
0x30: {  	[sflag:s10] =	ssyncadd.s32 $0xFFFFC000  }
.LBB2_1:
0x31: {  	[dreg:$0x19] =	wrdreg s23  }
0x32: {  	s22 =	rddreg [dreg:$0x3];
	s26 =	simm.s32 $0xD  }
0x33: {  	[tilespmem:s0], [sflag:$0xD] =	stream.linear.gather [hbm4b:s22+s3], $0x7D0, $0x38;
	[tilespmem:$0x11BA0] =	vst v63  }
0x34: {  	_ =	swait.ge [sflag:s26], $0x7D0  }
0x35: {  	[sflag:s26] =	ssyncset.done $0x0  }
0x36: {  	s29 =	rddreg [dreg:$0x4];
	[sflag:s26] =	ssyncadd.s32 $0xFFFFF830  }
0x37: {  	[tilespmem:s7], [sflag:$0xD] =	stream.linear.gather [hbm4b:s29+s3], $0x7D0, $0x38;
	[tilespmem:$0x11BA0] =	vst v63  }
0x38: {  	_ =	swait.ge [sflag:s26], $0x7D0  }
0x39: {  	[sflag:s26] =	ssyncset.done $0x0  }
0x3a: {  	s30 =	rddreg [dreg:$0x5];
	[sflag:s26] =	ssyncadd.s32 $0xFFFFF830  }
0x3b: {  	[tilespmem:s3], [sflag:$0x9] =	stream.linear.gather [hbm4b:s30+s3], $0x100, $0x38;
	[tilespmem:$0x11BA0] =	vst v63  }
0x3c: {  	s24 =	simm.s32 $0x400;
	s23 =	rddreg [dreg:$0x6]  }
0x3d: {  	[tilespmem:s24], [sflag:$0x9] =	stream.linear.gather [hbm4b:s23+s3], $0x100, $0x38;
	[tilespmem:$0x11BA0] =	vst v63  }
0x3e: {  	s25 =	rddreg [dreg:$0x7];
	s26 =	simm.s32 $0x800  }
0x3f: {  	[tilespmem:s26], [sflag:$0x9] =	stream.linear.gather [hbm4b:s25+s3], $0x100, $0x38;
	[tilespmem:$0x11BA0] =	vst v63  }
0x40: {  	s29 =	rddreg [dreg:$0x8];
	s23 =	simm.s32 $0x100  }
0x41: {  	[tilespmem:s23], [sflag:$0xA] =	stream.linear.gather [hbm4b:s29+s3], $0x100, $0x38;
	[tilespmem:$0x11BA0] =	vst v63  }
0x42: {  	s30 =	rddreg [dreg:$0x9];
	s24 =	simm.s32 $0x500  }
0x43: {  	[tilespmem:s24], [sflag:$0xA] =	stream.linear.gather [hbm4b:s30+s3], $0x100, $0x38;
	[tilespmem:$0x11BA0] =	vst v63  }
0x44: {  	s25 =	rddreg [dreg:$0xa];
	s26 =	simm.s32 $0x900  }
0x45: {  	[tilespmem:s26], [sflag:$0xA] =	stream.linear.gather [hbm4b:s25+s3], $0x100, $0x38;
	[tilespmem:$0x11BA0] =	vst v63  }
0x46: {  	s29 =	rddreg [dreg:$0xb];
	s24 =	simm.s32 $0x200  }
0x47: {  	[tilespmem:s24], [sflag:$0xB] =	stream.linear.gather [hbm4b:s29+s3], $0x100, $0x38;
	[tilespmem:$0x11BA0] =	vst v63  }
0x48: {  	s30 =	rddreg [dreg:$0xc];
	s25 =	simm.s32 $0x600  }
0x49: {  	[tilespmem:s25], [sflag:$0xB] =	stream.linear.gather [hbm4b:s30+s3], $0x100, $0x38;
	[tilespmem:$0x11BA0] =	vst v63  }
0x4a: {  	s26 =	rddreg [dreg:$0xd];
	s29 =	simm.s32 $0xA00  }
0x4b: {  	[tilespmem:s29], [sflag:$0xB] =	stream.linear.gather [hbm4b:s26+s3], $0x100, $0x38;
	[tilespmem:$0x11BA0] =	vst v63  }
0x4c: {  	s30 =	rddreg [dreg:$0xe]  }
0x4d: {  	[tilespmem:s11], [sflag:$0xC] =	stream.linear.gather [hbm4b:s30+s3], $0x100, $0x38;
	[tilespmem:$0x11BA0] =	vst v63  }
0x4e: {  	s25 =	rddreg [dreg:$0xf];
	s26 =	simm.s32 $0x700  }
0x4f: {  	[tilespmem:s26], [sflag:$0xC] =	stream.linear.gather [hbm4b:s25+s3], $0x100, $0x38;
	[tilespmem:$0x11BA0] =	vst v63  }
0x50: {  	s29 =	rddreg [dreg:$0x10];
	s30 =	simm.s32 $0xB00;
	s26 =	simm.s32 $0x9  }
0x51: {  	[tilespmem:s30], [sflag:$0xC] =	stream.linear.gather [hbm4b:s29+s3], $0x100, $0x38;
	[tilespmem:$0x11BA0] =	vst v63  }
0x52: {  	_ =	swait.ge [sflag:s26], $0x100  }
0x53: {  	[sflag:s26] =	ssyncset.done $0x0  }
0x54: {  	[sflag:s26] =	ssyncadd.s32 $0xFFFFFF00  }
0x55: {  	_ =	swait.ge [sflag:s26], $0x100  }
0x56: {  	[sflag:s26] =	ssyncset.done $0x0  }
0x57: {  	[sflag:s26] =	ssyncadd.s32 $0xFFFFFF00  }
0x58: {  	_ =	swait.ge [sflag:s26], $0x100  }
0x59: {  	[sflag:s26] =	ssyncset.done $0x0  }
0x5a: {  	[sflag:s26] =	ssyncadd.s32 $0xFFFFFF00  }
0x5b: {  	[tilespmem:s16], [sflag:$0x1] =	stream.indirect.gather [hbm4b:s2+s15], $0x40, s3, s15, $0xb8;
	[tilespmem:$0x11BA0] =	vst v63  }
0x5c: {  	s29 =	simm.s32 $0x2C00;
	s30 =	simm.s32 $0xA  }
0x5d: {  	[tilespmem:s29], [sflag:$0x1] =	stream.indirect.gather [hbm4b:s2+s15], $0x40, s15, s15, $0xb8;
	[tilespmem:$0x11BA0] =	vst v63  }
0x5e: {  	_ =	swait.ge [sflag:s30], $0x100  }
0x5f: {  	[sflag:s30] =	ssyncset.done $0x0  }
0x60: {  	[sflag:s30] =	ssyncadd.s32 $0xFFFFFF00  }
0x61: {  	_ =	swait.ge [sflag:s30], $0x100  }
0x62: {  	[sflag:s30] =	ssyncset.done $0x0  }
0x63: {  	[sflag:s30] =	ssyncadd.s32 $0xFFFFFF00  }
0x64: {  	_ =	swait.ge [sflag:s30], $0x100  }
0x65: {  	[sflag:s30] =	ssyncset.done $0x0  }
0x66: {  	[sflag:s30] =	ssyncadd.s32 $0xFFFFFF00  }
0x67: {  	[tilespmem:s18], [sflag:$0x2] =	stream.indirect.gather [hbm4b:s2+s15], $0x40, s23, s15, $0xb8;
	[tilespmem:$0x11BA0] =	vst v63  }
0x68: {  	s25 =	simm.s32 $0x180;
	s26 =	simm.s32 $0x6C00  }
0x69: {  	[tilespmem:s26], [sflag:$0x2] =	stream.indirect.gather [hbm4b:s2+s15], $0x40, s25, s15, $0xb8;
	[tilespmem:$0x11BA0] =	vst v63  }
0x6a: {  	_ =	swait.ge [sflag:s19], $0x100  }
0x6b: {  	[sflag:s19] =	ssyncset.done $0x0  }
0x6c: {  	[sflag:s19] =	ssyncadd.s32 $0xFFFFFF00  }
0x6d: {  	_ =	swait.ge [sflag:s19], $0x100  }
0x6e: {  	[sflag:s19] =	ssyncset.done $0x0  }
0x6f: {  	[sflag:s19] =	ssyncadd.s32 $0xFFFFFF00  }
0x70: {  	_ =	swait.ge [sflag:s19], $0x100  }
0x71: {  	[sflag:s19] =	ssyncset.done $0x0  }
0x72: {  	[sflag:s19] =	ssyncadd.s32 $0xFFFFFF00  }
0x73: {  	[tilespmem:s20], [sflag:$0x3] =	stream.indirect.gather [hbm4b:s2+s15], $0x40, s24, s15, $0xb8;
	[tilespmem:$0x11BA0] =	vst v63  }
0x74: {  	s29 =	simm.s32 $0x280;
	s30 =	simm.s32 $0xAC00;
	s26 =	simm.s32 $0x0  }
0x75: {  	[tilespmem:s30], [sflag:$0x3] =	stream.indirect.gather [hbm4b:s2+s15], $0x40, s29, s15, $0xb8;
	[tilespmem:$0x11BA0] =	vst v63  }
.LBB2_2:
0x76: {  	_ =	swait.ge [sflag:s28], $0x4000  }
0x77: {  	[sflag:s28] =	ssyncset.done $0x0  }
0x78: {  	s23 =	simm.s32 $0x400;
	[sflag:s28] =	ssyncadd.s32 $0xFFFFC000  }
0x79: {  	v1 =	vld [tilespmem:s23+$0x0];
	_ =	sdelay $0x4  }
0x7a: {  	s22 =	simm.s32 $0x800;
	v1 =	vmul.u32 $0x5, v1  }
0x7b: {  	v2 =	vld [tilespmem:s22+$0x0]  }
0x7c: {  	s24 =	simm.s32 $0x0  }
0x7d: {  	v3 =	vmov s24  }
0x7e: {  	v3 =	vshll.u32 v3, $0x6  }
0x7f: {  	v3 =	vor.u32 v0, v3  }
0x80: {  	v5 =	vor.u32 $0x32, v3;
	v2 =	vmul.u32 $0x5, v2;
	v4 =	vld.idx.msk [tilespmem:v1+s0+$0x0], $0xffff;
	_ =	sdelay $0x4  }
0x81: {  	[tilespmem:v5+s16+$0x0] =	vst.idx.msk $0xffff, v4  }
0x82: {  	v51 =	vor.u32 $0x37, v3;
	v4 =	vld.idx.msk [tilespmem:v2+s7+$0x0], $0xffff  }
0x83: {  	v6 =	vadd.s32 $0x1, v1;
	_ =	sdelay $0x3  }
0x84: {  	[tilespmem:v51+s16+$0x0] =	vst.idx.msk $0xffff, v4  }
0x85: {  	v52 =	vor.u32 $0x33, v3;
	v4 =	vld.idx.msk [tilespmem:v6+s0+$0x0], $0xffff  }
0x86: {  	v53 =	vadd.s32 $0x1, v2;
	_ =	sdelay $0x3  }
0x87: {  	[tilespmem:v52+s16+$0x0] =	vst.idx.msk $0xffff, v4  }
0x88: {  	v54 =	vor.u32 $0x38, v3;
	v4 =	vld.idx.msk [tilespmem:v53+s7+$0x0], $0xffff  }
0x89: {  	v55 =	vadd.s32 $0x2, v1;
	_ =	sdelay $0x3  }
0x8a: {  	[tilespmem:v54+s16+$0x0] =	vst.idx.msk $0xffff, v4  }
0x8b: {  	v56 =	vor.u32 $0x34, v3;
	v4 =	vld.idx.msk [tilespmem:v55+s0+$0x0], $0xffff  }
0x8c: {  	v57 =	vadd.s32 $0x2, v2;
	_ =	sdelay $0x3  }
0x8d: {  	[tilespmem:v56+s16+$0x0] =	vst.idx.msk $0xffff, v4  }
0x8e: {  	v58 =	vor.u32 $0x39, v3;
	v4 =	vld.idx.msk [tilespmem:v57+s7+$0x0], $0xffff  }
0x8f: {  	v59 =	vadd.s32 $0x3, v1;
	_ =	sdelay $0x3  }
0x90: {  	[tilespmem:v58+s16+$0x0] =	vst.idx.msk $0xffff, v4  }
0x91: {  	v60 =	vor.u32 $0x35, v3;
	v4 =	vld.idx.msk [tilespmem:v59+s0+$0x0], $0xffff  }
0x92: {  	v61 =	vadd.s32 $0x3, v2;
	_ =	sdelay $0x3  }
0x93: {  	[tilespmem:v60+s16+$0x0] =	vst.idx.msk $0xffff, v4  }
0x94: {  	v62 =	vor.u32 $0x3A, v3;
	v4 =	vld.idx.msk [tilespmem:v61+s7+$0x0], $0xffff  }
0x95: {  	v1 =	vadd.s32 $0x4, v1;
	_ =	sdelay $0x3  }
0x96: {  	[tilespmem:v62+s16+$0x0] =	vst.idx.msk $0xffff, v4  }
0x97: {  	v63 =	vor.u32 $0x36, v3;
	v1 =	vld.idx.msk [tilespmem:v1+s0+$0x0], $0xffff  }
0x98: {  	v2 =	vadd.s32 $0x4, v2;
	_ =	sdelay $0x3  }
0x99: {  	[tilespmem:v63+s16+$0x0] =	vst.idx.msk $0xffff, v1  }
0x9a: {  	s24 =	simm.s32 $0x10;
	v1 =	vld.idx.msk [tilespmem:v2+s7+$0x0], $0xffff;
	v2 =	vor.u32 $0x3B, v3  }
.LBB2_3:
0x9b: {  	_ =	sdelay $0x3  }
0x9c: {  	p0 =	sne.s32 s24, $0xF0;
	s23 =	sadd.s32 $0x10, s23;
	s22 =	sadd.s32 $0x10, s22;
	[tilespmem:v2+s16+$0x0] =	vst.idx.msk $0xffff, v1  }
0x9d: {  	s25 =	smov.u32 s24;
	s24 =	sadd.s32 $0x10, s24;
	v1 =	vld [tilespmem:s23+$0x0];
	_ =	sdelay $0x4  }
0x9e: {  	v1 =	vmul.u32 $0x5, v1;
	_ =	sdelay $0x1  }
0x9f: {  	v2 =	vld [tilespmem:s22+$0x0];
	_ =	sdelay $0x1  }
0xa0: {  	v3 =	vmov s25  }
0xa1: {  	v3 =	vshll.u32 v3, $0x6  }
0xa2: {  	v3 =	vor.u32 v0, v3;
	v4 =	vld.idx.msk [tilespmem:v1+s0+$0x0], $0xffff  }
0xa3: {  	v5 =	vor.u32 $0x32, v3;
	v2 =	vmul.u32 $0x5, v2;
	_ =	sdelay $0x4  }
0xa4: {  	[tilespmem:v5+s16+$0x0] =	vst.idx.msk $0xffff, v4  }
0xa5: {  	v4 =	vld.idx.msk [tilespmem:v2+s7+$0x0], $0xffff  }
0xa6: {  	v5 =	vor.u32 $0x37, v3  }
0xa7: {  	v6 =	vadd.s32 $0x1, v1;
	_ =	sdelay $0x3  }
0xa8: {  	[tilespmem:v5+s16+$0x0] =	vst.idx.msk $0xffff, v4  }
0xa9: {  	v4 =	vld.idx.msk [tilespmem:v6+s0+$0x0], $0xffff  }
0xaa: {  	v5 =	vor.u32 $0x33, v3  }
0xab: {  	v6 =	vadd.s32 $0x1, v2;
	_ =	sdelay $0x3  }
0xac: {  	[tilespmem:v5+s16+$0x0] =	vst.idx.msk $0xffff, v4  }
0xad: {  	v4 =	vld.idx.msk [tilespmem:v6+s7+$0x0], $0xffff  }
0xae: {  	v5 =	vor.u32 $0x38, v3  }
0xaf: {  	v6 =	vadd.s32 $0x2, v1;
	_ =	sdelay $0x3  }
0xb0: {  	[tilespmem:v5+s16+$0x0] =	vst.idx.msk $0xffff, v4  }
0xb1: {  	v4 =	vld.idx.msk [tilespmem:v6+s0+$0x0], $0xffff  }
0xb2: {  	v5 =	vor.u32 $0x34, v3  }
0xb3: {  	v6 =	vadd.s32 $0x2, v2;
	_ =	sdelay $0x3  }
0xb4: {  	[tilespmem:v5+s16+$0x0] =	vst.idx.msk $0xffff, v4  }
0xb5: {  	v4 =	vld.idx.msk [tilespmem:v6+s7+$0x0], $0xffff  }
0xb6: {  	v5 =	vor.u32 $0x39, v3  }
0xb7: {  	v6 =	vadd.s32 $0x3, v1;
	_ =	sdelay $0x3  }
0xb8: {  	[tilespmem:v5+s16+$0x0] =	vst.idx.msk $0xffff, v4  }
0xb9: {  	v4 =	vld.idx.msk [tilespmem:v6+s0+$0x0], $0xffff  }
0xba: {  	v5 =	vor.u32 $0x35, v3  }
0xbb: {  	v6 =	vadd.s32 $0x3, v2;
	_ =	sdelay $0x3  }
0xbc: {  	[tilespmem:v5+s16+$0x0] =	vst.idx.msk $0xffff, v4  }
0xbd: {  	v4 =	vld.idx.msk [tilespmem:v6+s7+$0x0], $0xffff  }
0xbe: {  	v5 =	vor.u32 $0x3A, v3  }
0xbf: {  	v1 =	vadd.s32 $0x4, v1;
	_ =	sdelay $0x3  }
0xc0: {  	[tilespmem:v5+s16+$0x0] =	vst.idx.msk $0xffff, v4  }
0xc1: {  	v1 =	vld.idx.msk [tilespmem:v1+s0+$0x0], $0xffff  }
0xc2: {  	v4 =	vor.u32 $0x36, v3  }
0xc3: {  	v2 =	vadd.s32 $0x4, v2;
	_ =	sdelay $0x1  }
.Ltmp2:
0xc4: {  	(pc) =	sbr.rel @p0 .LBB2_3-.Ltmp2, $4  }
0xc5: {  	_ = 	snop  }
0xc6: {  	[tilespmem:v4+s16+$0x0] =	vst.idx.msk $0xffff, v1  }
0xc7: {  	v1 =	vld.idx.msk [tilespmem:v2+s7+$0x0], $0xffff  }
0xc8: {  	v2 =	vor.u32 $0x3B, v3  }
0xc9: {  	_ = 	snop  }
0xca: {  	s23 =	sshll.u32 s26, $0x11  }
0xcb: {  	s22 =	sadd.s32 s31, s23  }
0xcc: {  	s22 =	sshrl.u32 s22, $0x3  }
0xcd: {  	p0 =	seq.s32 s26, $0x18;
	[tilespmem:v2+s16+$0x0] =	vst.idx.msk $0xffff, v1;
	s22 =	sadd.s32 s9, s22  }
0xce: {  	[hbm4b:s22+s1] =	stream.strided.scatter [tilespmem:s16], [sflag:$0x5], $0x4000, s15, s1, $0x38;
	[tilespmem:$0x11BA0] =	vst v63  }
0xcf: {  	s24 =	sshll.u32 @!p0 s26, $0xA;
	s22 =	rddreg [dreg:$0x11]  }
0xd0: {  	s22 =	sadd.s32 @!p0 s24, s22  }
0xd1: {  	s22 =	sshrl.u32 @!p0 s22, $0x3  }
0xd2: {  	s29 =	simm.s32 @!p0 $0x0;
	s25 =	sadd.s32 @!p0 s4, s22  }
0xd3: {  	[tilespmem:s29], [sflag:$0x9] =	stream.linear.gather @!p0 [hbm4b:s25+s29], $0x100, $0x38;
	[tilespmem:$0x11BA0] =	vst v63  }
0xd4: {  	s30 =	simm.s32 @!p0 $0x400;
	p1 =	seq.s32 @!p0 s26, $0x0;
	s25 =	sadd.s32 @!p0 s5, s22  }
0xd5: {  	[tilespmem:s30], [sflag:$0x9] =	stream.linear.gather @!p0 [hbm4b:s25+s29], $0x100, $0x38;
	[tilespmem:$0x11BA0] =	vst v63  }
0xd6: {  	p1 =	por p0, !p1;
	s22 =	sadd.s32 @!p0 s6, s22;
	s25 =	simm.s32 @!p0 $0x800  }
0xd7: {  	[tilespmem:s25], [sflag:$0x9] =	stream.linear.gather @!p0 [hbm4b:s22+s29], $0x100, $0x38;
	[tilespmem:$0x11BA0] =	vst v63  }
0xd8: {  	_ =	swait.ge @p1 [sflag:s10], $0x4000  }
0xd9: {  	[sflag:s10] =	ssyncset.done @p1 $0x0  }
0xda: {  	[sflag:s10] =	ssyncadd.s32 @p1 $0xFFFFC000  }
0xdb: {  	_ =	swait.ge [sflag:s14], $0x100  }
0xdc: {  	[sflag:s14] =	ssyncset.done $0x0  }
0xdd: {  	[sflag:s14] =	ssyncadd.s32 $0xFFFFFF00  }
0xde: {  	_ =	swait.ge [sflag:s14], $0x100  }
0xdf: {  	[sflag:s14] =	ssyncset.done $0x0  }
0xe0: {  	[sflag:s14] =	ssyncadd.s32 $0xFFFFFF00  }
0xe1: {  	_ =	swait.ge [sflag:s14], $0x100  }
0xe2: {  	[sflag:s14] =	ssyncset.done $0x0  }
0xe3: {  	[sflag:s14] =	ssyncadd.s32 $0xFFFFFF00  }
0xe4: {  	[tilespmem:s17], [sflag:$0x4] =	stream.indirect.gather [hbm4b:s2+s15], $0x40, s11, s15, $0xb8;
	[tilespmem:$0x11BA0] =	vst v63  }
0xe5: {  	s30 =	simm.s32 $0xEC00;
	s25 =	simm.s32 $0x380  }
0xe6: {  	[tilespmem:s30], [sflag:$0x4] =	stream.indirect.gather [hbm4b:s2+s15], $0x40, s25, s15, $0xb8;
	[tilespmem:$0x11BA0] =	vst v63  }
0xe7: {  	_ =	swait.ge [sflag:s8], $0x4000  }
0xe8: {  	[sflag:s8] =	ssyncset.done $0x0  }
0xe9: {  	s22 =	simm.s32 $0x500;
	[sflag:s8] =	ssyncadd.s32 $0xFFFFC000  }
0xea: {  	v1 =	vld [tilespmem:s22+$0x0];
	_ =	sdelay $0x4  }
0xeb: {  	s25 =	simm.s32 $0x900;
	v1 =	vmul.u32 $0x5, v1  }
0xec: {  	v2 =	vld [tilespmem:s25+$0x0]  }
0xed: {  	s29 =	simm.s32 $0x0  }
0xee: {  	v3 =	vmov s29  }
0xef: {  	v3 =	vshll.u32 v3, $0x6  }
0xf0: {  	v3 =	vor.u32 v0, v3  }
0xf1: {  	v5 =	vor.u32 $0x32, v3;
	v2 =	vmul.u32 $0x5, v2;
	v4 =	vld.idx.msk [tilespmem:v1+s0+$0x0], $0xffff;
	_ =	sdelay $0x4  }
0xf2: {  	[tilespmem:v5+s18+$0x0] =	vst.idx.msk $0xffff, v4  }
0xf3: {  	v51 =	vor.u32 $0x37, v3;
	v4 =	vld.idx.msk [tilespmem:v2+s7+$0x0], $0xffff  }
0xf4: {  	v6 =	vadd.s32 $0x1, v1;
	_ =	sdelay $0x3  }
0xf5: {  	[tilespmem:v51+s18+$0x0] =	vst.idx.msk $0xffff, v4  }
0xf6: {  	v52 =	vor.u32 $0x33, v3;
	v4 =	vld.idx.msk [tilespmem:v6+s0+$0x0], $0xffff  }
0xf7: {  	v53 =	vadd.s32 $0x1, v2;
	_ =	sdelay $0x3  }
0xf8: {  	[tilespmem:v52+s18+$0x0] =	vst.idx.msk $0xffff, v4  }
0xf9: {  	v54 =	vor.u32 $0x38, v3;
	v4 =	vld.idx.msk [tilespmem:v53+s7+$0x0], $0xffff  }
0xfa: {  	v55 =	vadd.s32 $0x2, v1;
	_ =	sdelay $0x3  }
0xfb: {  	[tilespmem:v54+s18+$0x0] =	vst.idx.msk $0xffff, v4  }
0xfc: {  	v56 =	vor.u32 $0x34, v3;
	v4 =	vld.idx.msk [tilespmem:v55+s0+$0x0], $0xffff  }
0xfd: {  	v57 =	vadd.s32 $0x2, v2;
	_ =	sdelay $0x3  }
0xfe: {  	[tilespmem:v56+s18+$0x0] =	vst.idx.msk $0xffff, v4  }
0xff: {  	v58 =	vor.u32 $0x39, v3;
	v4 =	vld.idx.msk [tilespmem:v57+s7+$0x0], $0xffff  }
0x100: {  	v59 =	vadd.s32 $0x3, v1;
	_ =	sdelay $0x3  }
0x101: {  	[tilespmem:v58+s18+$0x0] =	vst.idx.msk $0xffff, v4  }
0x102: {  	v60 =	vor.u32 $0x35, v3;
	v4 =	vld.idx.msk [tilespmem:v59+s0+$0x0], $0xffff  }
0x103: {  	v61 =	vadd.s32 $0x3, v2;
	_ =	sdelay $0x3  }
0x104: {  	[tilespmem:v60+s18+$0x0] =	vst.idx.msk $0xffff, v4  }
0x105: {  	v62 =	vor.u32 $0x3A, v3;
	v4 =	vld.idx.msk [tilespmem:v61+s7+$0x0], $0xffff  }
0x106: {  	v1 =	vadd.s32 $0x4, v1;
	_ =	sdelay $0x3  }
0x107: {  	[tilespmem:v62+s18+$0x0] =	vst.idx.msk $0xffff, v4  }
0x108: {  	v63 =	vor.u32 $0x36, v3;
	v1 =	vld.idx.msk [tilespmem:v1+s0+$0x0], $0xffff  }
0x109: {  	v2 =	vadd.s32 $0x4, v2;
	_ =	sdelay $0x3  }
0x10a: {  	[tilespmem:v63+s18+$0x0] =	vst.idx.msk $0xffff, v1  }
0x10b: {  	s29 =	simm.s32 $0x10;
	v1 =	vld.idx.msk [tilespmem:v2+s7+$0x0], $0xffff;
	v2 =	vor.u32 $0x3B, v3  }
.LBB2_5:
0x10c: {  	_ =	sdelay $0x3  }
0x10d: {  	p1 =	sne.s32 s29, $0xF0;
	s22 =	sadd.s32 $0x10, s22;
	s25 =	sadd.s32 $0x10, s25;
	[tilespmem:v2+s18+$0x0] =	vst.idx.msk $0xffff, v1  }
0x10e: {  	s30 =	smov.u32 s29;
	s29 =	sadd.s32 $0x10, s29;
	v1 =	vld [tilespmem:s22+$0x0];
	_ =	sdelay $0x4  }
0x10f: {  	v1 =	vmul.u32 $0x5, v1;
	_ =	sdelay $0x1  }
0x110: {  	v2 =	vld [tilespmem:s25+$0x0];
	_ =	sdelay $0x1  }
0x111: {  	v3 =	vmov s30  }
0x112: {  	v3 =	vshll.u32 v3, $0x6  }
0x113: {  	v3 =	vor.u32 v0, v3;
	v4 =	vld.idx.msk [tilespmem:v1+s0+$0x0], $0xffff  }
0x114: {  	v5 =	vor.u32 $0x32, v3;
	v2 =	vmul.u32 $0x5, v2;
	_ =	sdelay $0x4  }
0x115: {  	[tilespmem:v5+s18+$0x0] =	vst.idx.msk $0xffff, v4  }
0x116: {  	v4 =	vld.idx.msk [tilespmem:v2+s7+$0x0], $0xffff  }
0x117: {  	v5 =	vor.u32 $0x37, v3  }
0x118: {  	v6 =	vadd.s32 $0x1, v1;
	_ =	sdelay $0x3  }
0x119: {  	[tilespmem:v5+s18+$0x0] =	vst.idx.msk $0xffff, v4  }
0x11a: {  	v4 =	vld.idx.msk [tilespmem:v6+s0+$0x0], $0xffff  }
0x11b: {  	v5 =	vor.u32 $0x33, v3  }
0x11c: {  	v6 =	vadd.s32 $0x1, v2;
	_ =	sdelay $0x3  }
0x11d: {  	[tilespmem:v5+s18+$0x0] =	vst.idx.msk $0xffff, v4  }
0x11e: {  	v4 =	vld.idx.msk [tilespmem:v6+s7+$0x0], $0xffff  }
0x11f: {  	v5 =	vor.u32 $0x38, v3  }
0x120: {  	v6 =	vadd.s32 $0x2, v1;
	_ =	sdelay $0x3  }
0x121: {  	[tilespmem:v5+s18+$0x0] =	vst.idx.msk $0xffff, v4  }
0x122: {  	v4 =	vld.idx.msk [tilespmem:v6+s0+$0x0], $0xffff  }
0x123: {  	v5 =	vor.u32 $0x34, v3  }
0x124: {  	v6 =	vadd.s32 $0x2, v2;
	_ =	sdelay $0x3  }
0x125: {  	[tilespmem:v5+s18+$0x0] =	vst.idx.msk $0xffff, v4  }
0x126: {  	v4 =	vld.idx.msk [tilespmem:v6+s7+$0x0], $0xffff  }
0x127: {  	v5 =	vor.u32 $0x39, v3  }
0x128: {  	v6 =	vadd.s32 $0x3, v1;
	_ =	sdelay $0x3  }
0x129: {  	[tilespmem:v5+s18+$0x0] =	vst.idx.msk $0xffff, v4  }
0x12a: {  	v4 =	vld.idx.msk [tilespmem:v6+s0+$0x0], $0xffff  }
0x12b: {  	v5 =	vor.u32 $0x35, v3  }
0x12c: {  	v6 =	vadd.s32 $0x3, v2;
	_ =	sdelay $0x3  }
0x12d: {  	[tilespmem:v5+s18+$0x0] =	vst.idx.msk $0xffff, v4  }
0x12e: {  	v4 =	vld.idx.msk [tilespmem:v6+s7+$0x0], $0xffff  }
0x12f: {  	v5 =	vor.u32 $0x3A, v3  }
0x130: {  	v1 =	vadd.s32 $0x4, v1;
	_ =	sdelay $0x3  }
0x131: {  	[tilespmem:v5+s18+$0x0] =	vst.idx.msk $0xffff, v4  }
0x132: {  	v1 =	vld.idx.msk [tilespmem:v1+s0+$0x0], $0xffff  }
0x133: {  	v4 =	vor.u32 $0x36, v3  }
0x134: {  	v2 =	vadd.s32 $0x4, v2;
	_ =	sdelay $0x1  }
.Ltmp3:
0x135: {  	(pc) =	sbr.rel @p1 .LBB2_5-.Ltmp3, $4  }
0x136: {  	_ = 	snop  }
0x137: {  	[tilespmem:v4+s18+$0x0] =	vst.idx.msk $0xffff, v1  }
0x138: {  	v1 =	vld.idx.msk [tilespmem:v2+s7+$0x0], $0xffff  }
0x139: {  	v2 =	vor.u32 $0x3B, v3  }
0x13a: {  	_ = 	snop  }
0x13b: {  	s22 =	rddreg [dreg:$0x16]  }
0x13c: {  	s22 =	sadd.s32 s23, s22  }
0x13d: {  	s22 =	sshrl.u32 s22, $0x3  }
0x13e: {  	[tilespmem:v2+s18+$0x0] =	vst.idx.msk $0xffff, v1;
	s22 =	sadd.s32 s9, s22  }
0x13f: {  	[hbm4b:s22+s1] =	stream.strided.scatter [tilespmem:s18], [sflag:$0x6], $0x4000, s15, s1, $0x38;
	[tilespmem:$0x11BA0] =	vst v63  }
0x140: {  	s22 =	rddreg [dreg:$0x12]  }
0x141: {  	s22 =	sadd.s32 @!p0 s24, s22  }
0x142: {  	s22 =	sshrl.u32 @!p0 s22, $0x3  }
0x143: {  	s29 =	simm.s32 @!p0 $0x0;
	s30 =	simm.s32 @!p0 $0x100;
	s25 =	sadd.s32 @!p0 s4, s22  }
0x144: {  	[tilespmem:s30], [sflag:$0xA] =	stream.linear.gather @!p0 [hbm4b:s25+s29], $0x100, $0x38;
	[tilespmem:$0x11BA0] =	vst v63  }
0x145: {  	s25 =	sadd.s32 @!p0 s5, s22;
	s30 =	simm.s32 @!p0 $0x500  }
0x146: {  	[tilespmem:s30], [sflag:$0xA] =	stream.linear.gather @!p0 [hbm4b:s25+s29], $0x100, $0x38;
	[tilespmem:$0x11BA0] =	vst v63  }
0x147: {  	s22 =	sadd.s32 @!p0 s6, s22;
	s25 =	simm.s32 @!p0 $0x900  }
0x148: {  	[tilespmem:s25], [sflag:$0xA] =	stream.linear.gather @!p0 [hbm4b:s22+s29], $0x100, $0x38;
	[tilespmem:$0x11BA0] =	vst v63  }
0x149: {  	s22 =	simm.s32 @!p0 $0x5  }
0x14a: {  	_ =	swait.ge @!p0 [sflag:s22], $0x4000  }
0x14b: {  	[sflag:s22] =	ssyncset.done @!p0 $0x0  }
0x14c: {  	[sflag:s22] =	ssyncadd.s32 @!p0 $0xFFFFC000;
	s22 =	simm.s32 @!p0 $0x9  }
0x14d: {  	_ =	swait.ge @!p0 [sflag:s22], $0x100  }
0x14e: {  	[sflag:s22] =	ssyncset.done @!p0 $0x0  }
0x14f: {  	[sflag:s22] =	ssyncadd.s32 @!p0 $0xFFFFFF00  }
0x150: {  	_ =	swait.ge @!p0 [sflag:s22], $0x100  }
0x151: {  	[sflag:s22] =	ssyncset.done @!p0 $0x0  }
0x152: {  	[sflag:s22] =	ssyncadd.s32 @!p0 $0xFFFFFF00  }
0x153: {  	_ =	swait.ge @!p0 [sflag:s22], $0x100  }
0x154: {  	[sflag:s22] =	ssyncset.done @!p0 $0x0  }
0x155: {  	s25 =	simm.s32 @!p0 $0xC00;
	[sflag:s22] =	ssyncadd.s32 @!p0 $0xFFFFFF00;
	s22 =	simm.s32 @!p0 $0x80  }
0x156: {  	[tilespmem:s25], [sflag:$0x1] =	stream.indirect.gather @!p0 [hbm4b:s2+s22], $0x40, s29, s22, $0xb8;
	[tilespmem:$0x11BA0] =	vst v63  }
0x157: {  	s25 =	simm.s32 @!p0 $0x2C00  }
0x158: {  	[tilespmem:s25], [sflag:$0x1] =	stream.indirect.gather @!p0 [hbm4b:s2+s22], $0x40, s22, s22, $0xb8;
	[tilespmem:$0x11BA0] =	vst v63  }
0x159: {  	_ =	swait.ge [sflag:s21], $0x4000  }
0x15a: {  	[sflag:s21] =	ssyncset.done $0x0  }
0x15b: {  	s22 =	simm.s32 $0x600;
	[sflag:s21] =	ssyncadd.s32 $0xFFFFC000  }
0x15c: {  	v1 =	vld [tilespmem:s22+$0x0];
	_ =	sdelay $0x4  }
0x15d: {  	s25 =	simm.s32 $0xA00;
	v1 =	vmul.u32 $0x5, v1  }
0x15e: {  	v2 =	vld [tilespmem:s25+$0x0]  }
0x15f: {  	s29 =	simm.s32 $0x0  }
0x160: {  	v3 =	vmov s29  }
0x161: {  	v3 =	vshll.u32 v3, $0x6  }
0x162: {  	v3 =	vor.u32 v0, v3  }
0x163: {  	v5 =	vor.u32 $0x32, v3;
	v2 =	vmul.u32 $0x5, v2;
	v4 =	vld.idx.msk [tilespmem:v1+s0+$0x0], $0xffff;
	_ =	sdelay $0x4  }
0x164: {  	[tilespmem:v5+s20+$0x0] =	vst.idx.msk $0xffff, v4  }
0x165: {  	v51 =	vor.u32 $0x37, v3;
	v4 =	vld.idx.msk [tilespmem:v2+s7+$0x0], $0xffff  }
0x166: {  	v6 =	vadd.s32 $0x1, v1;
	_ =	sdelay $0x3  }
0x167: {  	[tilespmem:v51+s20+$0x0] =	vst.idx.msk $0xffff, v4  }
0x168: {  	v52 =	vor.u32 $0x33, v3;
	v4 =	vld.idx.msk [tilespmem:v6+s0+$0x0], $0xffff  }
0x169: {  	v53 =	vadd.s32 $0x1, v2;
	_ =	sdelay $0x3  }
0x16a: {  	[tilespmem:v52+s20+$0x0] =	vst.idx.msk $0xffff, v4  }
0x16b: {  	v54 =	vor.u32 $0x38, v3;
	v4 =	vld.idx.msk [tilespmem:v53+s7+$0x0], $0xffff  }
0x16c: {  	v55 =	vadd.s32 $0x2, v1;
	_ =	sdelay $0x3  }
0x16d: {  	[tilespmem:v54+s20+$0x0] =	vst.idx.msk $0xffff, v4  }
0x16e: {  	v56 =	vor.u32 $0x34, v3;
	v4 =	vld.idx.msk [tilespmem:v55+s0+$0x0], $0xffff  }
0x16f: {  	v57 =	vadd.s32 $0x2, v2;
	_ =	sdelay $0x3  }
0x170: {  	[tilespmem:v56+s20+$0x0] =	vst.idx.msk $0xffff, v4  }
0x171: {  	v58 =	vor.u32 $0x39, v3;
	v4 =	vld.idx.msk [tilespmem:v57+s7+$0x0], $0xffff  }
0x172: {  	v59 =	vadd.s32 $0x3, v1;
	_ =	sdelay $0x3  }
0x173: {  	[tilespmem:v58+s20+$0x0] =	vst.idx.msk $0xffff, v4  }
0x174: {  	v60 =	vor.u32 $0x35, v3;
	v4 =	vld.idx.msk [tilespmem:v59+s0+$0x0], $0xffff  }
0x175: {  	v61 =	vadd.s32 $0x3, v2;
	_ =	sdelay $0x3  }
0x176: {  	[tilespmem:v60+s20+$0x0] =	vst.idx.msk $0xffff, v4  }
0x177: {  	v62 =	vor.u32 $0x3A, v3;
	v4 =	vld.idx.msk [tilespmem:v61+s7+$0x0], $0xffff  }
0x178: {  	v1 =	vadd.s32 $0x4, v1;
	_ =	sdelay $0x3  }
0x179: {  	[tilespmem:v62+s20+$0x0] =	vst.idx.msk $0xffff, v4  }
0x17a: {  	v63 =	vor.u32 $0x36, v3;
	v1 =	vld.idx.msk [tilespmem:v1+s0+$0x0], $0xffff  }
0x17b: {  	v2 =	vadd.s32 $0x4, v2;
	_ =	sdelay $0x3  }
0x17c: {  	[tilespmem:v63+s20+$0x0] =	vst.idx.msk $0xffff, v1  }
0x17d: {  	s29 =	simm.s32 $0x10;
	v1 =	vld.idx.msk [tilespmem:v2+s7+$0x0], $0xffff;
	v2 =	vor.u32 $0x3B, v3  }
.LBB2_7:
0x17e: {  	_ =	sdelay $0x3  }
0x17f: {  	p1 =	sne.s32 s29, $0xF0;
	s22 =	sadd.s32 $0x10, s22;
	s25 =	sadd.s32 $0x10, s25;
	[tilespmem:v2+s20+$0x0] =	vst.idx.msk $0xffff, v1  }
0x180: {  	s30 =	smov.u32 s29;
	s29 =	sadd.s32 $0x10, s29;
	v1 =	vld [tilespmem:s22+$0x0];
	_ =	sdelay $0x4  }
0x181: {  	v1 =	vmul.u32 $0x5, v1;
	_ =	sdelay $0x1  }
0x182: {  	v2 =	vld [tilespmem:s25+$0x0];
	_ =	sdelay $0x1  }
0x183: {  	v3 =	vmov s30  }
0x184: {  	v3 =	vshll.u32 v3, $0x6  }
0x185: {  	v3 =	vor.u32 v0, v3;
	v4 =	vld.idx.msk [tilespmem:v1+s0+$0x0], $0xffff  }
0x186: {  	v5 =	vor.u32 $0x32, v3;
	v2 =	vmul.u32 $0x5, v2;
	_ =	sdelay $0x4  }
0x187: {  	[tilespmem:v5+s20+$0x0] =	vst.idx.msk $0xffff, v4  }
0x188: {  	v4 =	vld.idx.msk [tilespmem:v2+s7+$0x0], $0xffff  }
0x189: {  	v5 =	vor.u32 $0x37, v3  }
0x18a: {  	v6 =	vadd.s32 $0x1, v1;
	_ =	sdelay $0x3  }
0x18b: {  	[tilespmem:v5+s20+$0x0] =	vst.idx.msk $0xffff, v4  }
0x18c: {  	v4 =	vld.idx.msk [tilespmem:v6+s0+$0x0], $0xffff  }
0x18d: {  	v5 =	vor.u32 $0x33, v3  }
0x18e: {  	v6 =	vadd.s32 $0x1, v2;
	_ =	sdelay $0x3  }
0x18f: {  	[tilespmem:v5+s20+$0x0] =	vst.idx.msk $0xffff, v4  }
0x190: {  	v4 =	vld.idx.msk [tilespmem:v6+s7+$0x0], $0xffff  }
0x191: {  	v5 =	vor.u32 $0x38, v3  }
0x192: {  	v6 =	vadd.s32 $0x2, v1;
	_ =	sdelay $0x3  }
0x193: {  	[tilespmem:v5+s20+$0x0] =	vst.idx.msk $0xffff, v4  }
0x194: {  	v4 =	vld.idx.msk [tilespmem:v6+s0+$0x0], $0xffff  }
0x195: {  	v5 =	vor.u32 $0x34, v3  }
0x196: {  	v6 =	vadd.s32 $0x2, v2;
	_ =	sdelay $0x3  }
0x197: {  	[tilespmem:v5+s20+$0x0] =	vst.idx.msk $0xffff, v4  }
0x198: {  	v4 =	vld.idx.msk [tilespmem:v6+s7+$0x0], $0xffff  }
0x199: {  	v5 =	vor.u32 $0x39, v3  }
0x19a: {  	v6 =	vadd.s32 $0x3, v1;
	_ =	sdelay $0x3  }
0x19b: {  	[tilespmem:v5+s20+$0x0] =	vst.idx.msk $0xffff, v4  }
0x19c: {  	v4 =	vld.idx.msk [tilespmem:v6+s0+$0x0], $0xffff  }
0x19d: {  	v5 =	vor.u32 $0x35, v3  }
0x19e: {  	v6 =	vadd.s32 $0x3, v2;
	_ =	sdelay $0x3  }
0x19f: {  	[tilespmem:v5+s20+$0x0] =	vst.idx.msk $0xffff, v4  }
0x1a0: {  	v4 =	vld.idx.msk [tilespmem:v6+s7+$0x0], $0xffff  }
0x1a1: {  	v5 =	vor.u32 $0x3A, v3  }
0x1a2: {  	v1 =	vadd.s32 $0x4, v1;
	_ =	sdelay $0x3  }
0x1a3: {  	[tilespmem:v5+s20+$0x0] =	vst.idx.msk $0xffff, v4  }
0x1a4: {  	v1 =	vld.idx.msk [tilespmem:v1+s0+$0x0], $0xffff  }
0x1a5: {  	v4 =	vor.u32 $0x36, v3  }
0x1a6: {  	v2 =	vadd.s32 $0x4, v2;
	_ =	sdelay $0x1  }
.Ltmp4:
0x1a7: {  	(pc) =	sbr.rel @p1 .LBB2_7-.Ltmp4, $4  }
0x1a8: {  	_ = 	snop  }
0x1a9: {  	[tilespmem:v4+s20+$0x0] =	vst.idx.msk $0xffff, v1  }
0x1aa: {  	v1 =	vld.idx.msk [tilespmem:v2+s7+$0x0], $0xffff  }
0x1ab: {  	v2 =	vor.u32 $0x3B, v3  }
0x1ac: {  	_ = 	snop  }
0x1ad: {  	s22 =	rddreg [dreg:$0x17]  }
0x1ae: {  	s22 =	sadd.s32 s23, s22  }
0x1af: {  	s22 =	sshrl.u32 s22, $0x3  }
0x1b0: {  	[tilespmem:v2+s20+$0x0] =	vst.idx.msk $0xffff, v1;
	s22 =	sadd.s32 s9, s22  }
0x1b1: {  	[hbm4b:s22+s1] =	stream.strided.scatter [tilespmem:s20], [sflag:$0x7], $0x4000, s15, s1, $0x38;
	[tilespmem:$0x11BA0] =	vst v63  }
0x1b2: {  	s22 =	rddreg [dreg:$0x13]  }
0x1b3: {  	s22 =	sadd.s32 @!p0 s24, s22  }
0x1b4: {  	s22 =	sshrl.u32 @!p0 s22, $0x3  }
0x1b5: {  	s25 =	simm.s32 @!p0 $0x0;
	s29 =	simm.s32 @!p0 $0x200;
	s24 =	sadd.s32 @!p0 s4, s22  }
0x1b6: {  	[tilespmem:s29], [sflag:$0xB] =	stream.linear.gather @!p0 [hbm4b:s24+s25], $0x100, $0x38;
	[tilespmem:$0x11BA0] =	vst v63  }
0x1b7: {  	s24 =	sadd.s32 @!p0 s5, s22;
	s29 =	simm.s32 @!p0 $0x600  }
0x1b8: {  	[tilespmem:s29], [sflag:$0xB] =	stream.linear.gather @!p0 [hbm4b:s24+s25], $0x100, $0x38;
	[tilespmem:$0x11BA0] =	vst v63  }
0x1b9: {  	s22 =	sadd.s32 @!p0 s6, s22;
	s24 =	simm.s32 @!p0 $0xA00  }
0x1ba: {  	[tilespmem:s24], [sflag:$0xB] =	stream.linear.gather @!p0 [hbm4b:s22+s25], $0x100, $0x38;
	[tilespmem:$0x11BA0] =	vst v63  }
0x1bb: {  	s22 =	simm.s32 @!p0 $0x6  }
0x1bc: {  	_ =	swait.ge @!p0 [sflag:s22], $0x4000  }
0x1bd: {  	[sflag:s22] =	ssyncset.done @!p0 $0x0  }
0x1be: {  	[sflag:s22] =	ssyncadd.s32 @!p0 $0xFFFFC000;
	s22 =	simm.s32 @!p0 $0xA  }
0x1bf: {  	_ =	swait.ge @!p0 [sflag:s22], $0x100  }
0x1c0: {  	[sflag:s22] =	ssyncset.done @!p0 $0x0  }
0x1c1: {  	[sflag:s22] =	ssyncadd.s32 @!p0 $0xFFFFFF00  }
0x1c2: {  	_ =	swait.ge @!p0 [sflag:s22], $0x100  }
0x1c3: {  	[sflag:s22] =	ssyncset.done @!p0 $0x0  }
0x1c4: {  	[sflag:s22] =	ssyncadd.s32 @!p0 $0xFFFFFF00  }
0x1c5: {  	_ =	swait.ge @!p0 [sflag:s22], $0x100  }
0x1c6: {  	s24 =	simm.s32 @!p0 $0x100;
	[sflag:s22] =	ssyncset.done @!p0 $0x0  }
0x1c7: {  	s25 =	simm.s32 @!p0 $0x4C00;
	[sflag:s22] =	ssyncadd.s32 @!p0 $0xFFFFFF00;
	s22 =	simm.s32 @!p0 $0x80  }
0x1c8: {  	[tilespmem:s25], [sflag:$0x2] =	stream.indirect.gather @!p0 [hbm4b:s2+s22], $0x40, s24, s22, $0xb8;
	[tilespmem:$0x11BA0] =	vst v63  }
0x1c9: {  	s24 =	simm.s32 @!p0 $0x180;
	s25 =	simm.s32 @!p0 $0x6C00  }
0x1ca: {  	[tilespmem:s25], [sflag:$0x2] =	stream.indirect.gather @!p0 [hbm4b:s2+s22], $0x40, s24, s22, $0xb8;
	[tilespmem:$0x11BA0] =	vst v63  }
0x1cb: {  	_ =	swait.ge [sflag:s12], $0x4000  }
0x1cc: {  	[sflag:s12] =	ssyncset.done $0x0  }
0x1cd: {  	s22 =	simm.s32 $0x700;
	[sflag:s12] =	ssyncadd.s32 $0xFFFFC000  }
0x1ce: {  	v1 =	vld [tilespmem:s22+$0x0];
	_ =	sdelay $0x4  }
0x1cf: {  	s24 =	simm.s32 $0xB00;
	v1 =	vmul.u32 $0x5, v1  }
0x1d0: {  	v2 =	vld [tilespmem:s24+$0x0]  }
0x1d1: {  	s30 =	simm.s32 $0x0  }
0x1d2: {  	v3 =	vmov s30  }
0x1d3: {  	v3 =	vshll.u32 v3, $0x6  }
0x1d4: {  	v3 =	vor.u32 v0, v3  }
0x1d5: {  	v5 =	vor.u32 $0x32, v3;
	v2 =	vmul.u32 $0x5, v2;
	v4 =	vld.idx.msk [tilespmem:v1+s0+$0x0], $0xffff;
	_ =	sdelay $0x4  }
0x1d6: {  	[tilespmem:v5+s17+$0x0] =	vst.idx.msk $0xffff, v4  }
0x1d7: {  	v51 =	vor.u32 $0x37, v3;
	v4 =	vld.idx.msk [tilespmem:v2+s7+$0x0], $0xffff  }
0x1d8: {  	v6 =	vadd.s32 $0x1, v1;
	_ =	sdelay $0x3  }
0x1d9: {  	[tilespmem:v51+s17+$0x0] =	vst.idx.msk $0xffff, v4  }
0x1da: {  	v52 =	vor.u32 $0x33, v3;
	v4 =	vld.idx.msk [tilespmem:v6+s0+$0x0], $0xffff  }
0x1db: {  	v53 =	vadd.s32 $0x1, v2;
	_ =	sdelay $0x3  }
0x1dc: {  	[tilespmem:v52+s17+$0x0] =	vst.idx.msk $0xffff, v4  }
0x1dd: {  	v54 =	vor.u32 $0x38, v3;
	v4 =	vld.idx.msk [tilespmem:v53+s7+$0x0], $0xffff  }
0x1de: {  	v55 =	vadd.s32 $0x2, v1;
	_ =	sdelay $0x3  }
0x1df: {  	[tilespmem:v54+s17+$0x0] =	vst.idx.msk $0xffff, v4  }
0x1e0: {  	v56 =	vor.u32 $0x34, v3;
	v4 =	vld.idx.msk [tilespmem:v55+s0+$0x0], $0xffff  }
0x1e1: {  	v57 =	vadd.s32 $0x2, v2;
	_ =	sdelay $0x3  }
0x1e2: {  	[tilespmem:v56+s17+$0x0] =	vst.idx.msk $0xffff, v4  }
0x1e3: {  	v58 =	vor.u32 $0x39, v3;
	v4 =	vld.idx.msk [tilespmem:v57+s7+$0x0], $0xffff  }
0x1e4: {  	v59 =	vadd.s32 $0x3, v1;
	_ =	sdelay $0x3  }
0x1e5: {  	[tilespmem:v58+s17+$0x0] =	vst.idx.msk $0xffff, v4  }
0x1e6: {  	v60 =	vor.u32 $0x35, v3;
	v4 =	vld.idx.msk [tilespmem:v59+s0+$0x0], $0xffff  }
0x1e7: {  	v61 =	vadd.s32 $0x3, v2;
	_ =	sdelay $0x3  }
0x1e8: {  	[tilespmem:v60+s17+$0x0] =	vst.idx.msk $0xffff, v4  }
0x1e9: {  	v62 =	vor.u32 $0x3A, v3;
	v4 =	vld.idx.msk [tilespmem:v61+s7+$0x0], $0xffff  }
0x1ea: {  	v1 =	vadd.s32 $0x4, v1;
	_ =	sdelay $0x3  }
0x1eb: {  	[tilespmem:v62+s17+$0x0] =	vst.idx.msk $0xffff, v4  }
0x1ec: {  	v63 =	vor.u32 $0x36, v3;
	v1 =	vld.idx.msk [tilespmem:v1+s0+$0x0], $0xffff  }
0x1ed: {  	v2 =	vadd.s32 $0x4, v2;
	_ =	sdelay $0x3  }
0x1ee: {  	[tilespmem:v63+s17+$0x0] =	vst.idx.msk $0xffff, v1  }
0x1ef: {  	s25 =	simm.s32 $0x10;
	v1 =	vld.idx.msk [tilespmem:v2+s7+$0x0], $0xffff;
	v2 =	vor.u32 $0x3B, v3  }
.LBB2_9:
0x1f0: {  	_ =	sdelay $0x3  }
0x1f1: {  	p1 =	sne.s32 s25, $0xF0;
	s22 =	sadd.s32 $0x10, s22;
	s24 =	sadd.s32 $0x10, s24;
	[tilespmem:v2+s17+$0x0] =	vst.idx.msk $0xffff, v1  }
0x1f2: {  	s29 =	smov.u32 s25;
	s25 =	sadd.s32 $0x10, s25;
	v1 =	vld [tilespmem:s22+$0x0];
	_ =	sdelay $0x4  }
0x1f3: {  	v1 =	vmul.u32 $0x5, v1;
	_ =	sdelay $0x1  }
0x1f4: {  	v2 =	vld [tilespmem:s24+$0x0];
	_ =	sdelay $0x1  }
0x1f5: {  	v3 =	vmov s29  }
0x1f6: {  	v3 =	vshll.u32 v3, $0x6  }
0x1f7: {  	v3 =	vor.u32 v0, v3;
	v4 =	vld.idx.msk [tilespmem:v1+s0+$0x0], $0xffff  }
0x1f8: {  	v5 =	vor.u32 $0x32, v3;
	v2 =	vmul.u32 $0x5, v2;
	_ =	sdelay $0x4  }
0x1f9: {  	[tilespmem:v5+s17+$0x0] =	vst.idx.msk $0xffff, v4  }
0x1fa: {  	v4 =	vld.idx.msk [tilespmem:v2+s7+$0x0], $0xffff  }
0x1fb: {  	v5 =	vor.u32 $0x37, v3  }
0x1fc: {  	v6 =	vadd.s32 $0x1, v1;
	_ =	sdelay $0x3  }
0x1fd: {  	[tilespmem:v5+s17+$0x0] =	vst.idx.msk $0xffff, v4  }
0x1fe: {  	v4 =	vld.idx.msk [tilespmem:v6+s0+$0x0], $0xffff  }
0x1ff: {  	v5 =	vor.u32 $0x33, v3  }
0x200: {  	v6 =	vadd.s32 $0x1, v2;
	_ =	sdelay $0x3  }
0x201: {  	[tilespmem:v5+s17+$0x0] =	vst.idx.msk $0xffff, v4  }
0x202: {  	v4 =	vld.idx.msk [tilespmem:v6+s7+$0x0], $0xffff  }
0x203: {  	v5 =	vor.u32 $0x38, v3  }
0x204: {  	v6 =	vadd.s32 $0x2, v1;
	_ =	sdelay $0x3  }
0x205: {  	[tilespmem:v5+s17+$0x0] =	vst.idx.msk $0xffff, v4  }
0x206: {  	v4 =	vld.idx.msk [tilespmem:v6+s0+$0x0], $0xffff  }
0x207: {  	v5 =	vor.u32 $0x34, v3  }
0x208: {  	v6 =	vadd.s32 $0x2, v2;
	_ =	sdelay $0x3  }
0x209: {  	[tilespmem:v5+s17+$0x0] =	vst.idx.msk $0xffff, v4  }
0x20a: {  	v4 =	vld.idx.msk [tilespmem:v6+s7+$0x0], $0xffff  }
0x20b: {  	v5 =	vor.u32 $0x39, v3  }
0x20c: {  	v6 =	vadd.s32 $0x3, v1;
	_ =	sdelay $0x3  }
0x20d: {  	[tilespmem:v5+s17+$0x0] =	vst.idx.msk $0xffff, v4  }
0x20e: {  	v4 =	vld.idx.msk [tilespmem:v6+s0+$0x0], $0xffff  }
0x20f: {  	v5 =	vor.u32 $0x35, v3  }
0x210: {  	v6 =	vadd.s32 $0x3, v2;
	_ =	sdelay $0x3  }
0x211: {  	[tilespmem:v5+s17+$0x0] =	vst.idx.msk $0xffff, v4  }
0x212: {  	v4 =	vld.idx.msk [tilespmem:v6+s7+$0x0], $0xffff  }
0x213: {  	v5 =	vor.u32 $0x3A, v3  }
0x214: {  	v1 =	vadd.s32 $0x4, v1;
	_ =	sdelay $0x3  }
0x215: {  	[tilespmem:v5+s17+$0x0] =	vst.idx.msk $0xffff, v4  }
0x216: {  	v1 =	vld.idx.msk [tilespmem:v1+s0+$0x0], $0xffff  }
0x217: {  	v4 =	vor.u32 $0x36, v3  }
0x218: {  	v2 =	vadd.s32 $0x4, v2;
	_ =	sdelay $0x1  }
.Ltmp5:
0x219: {  	(pc) =	sbr.rel @p1 .LBB2_9-.Ltmp5, $4  }
0x21a: {  	_ = 	snop  }
0x21b: {  	[tilespmem:v4+s17+$0x0] =	vst.idx.msk $0xffff, v1  }
0x21c: {  	v1 =	vld.idx.msk [tilespmem:v2+s7+$0x0], $0xffff  }
0x21d: {  	v2 =	vor.u32 $0x3B, v3  }
0x21e: {  	_ = 	snop  }
.Ltmp6:
0x21f: {  	s22 =	rddreg [dreg:$0x18];
	(pc) =	sbr.rel @p0 .LBB2_12-.Ltmp6, $4  }
0x220: {  	s22 =	sadd.s32 s23, s22  }
0x221: {  	s22 =	sshrl.u32 s22, $0x3  }
0x222: {  	[tilespmem:v2+s17+$0x0] =	vst.idx.msk $0xffff, v1;
	s22 =	sadd.s32 s9, s22  }
0x223: {  	[hbm4b:s22+s1] =	stream.strided.scatter [tilespmem:s17], [sflag:$0x8], $0x4000, s15, s1, $0x38;
	[tilespmem:$0x11BA0] =	vst v63  }
0x224: {  	s22 =	sshll.u32 s26, $0xA;
	s23 =	rddreg [dreg:$0x14]  }
0x225: {  	s22 =	sadd.s32 s22, s23  }
0x226: {  	s22 =	sshrl.u32 s22, $0x3  }
0x227: {  	s29 =	sadd.s32 s4, s22  }
0x228: {  	[tilespmem:s11], [sflag:$0xC] =	stream.linear.gather [hbm4b:s29+s3], $0x100, $0x38;
	[tilespmem:$0x11BA0] =	vst v63  }
0x229: {  	s24 =	simm.s32 $0x700;
	s30 =	sadd.s32 s5, s22  }
0x22a: {  	[tilespmem:s24], [sflag:$0xC] =	stream.linear.gather [hbm4b:s30+s3], $0x100, $0x38;
	[tilespmem:$0x11BA0] =	vst v63  }
0x22b: {  	s22 =	sadd.s32 s6, s22;
	s24 =	simm.s32 $0xB00  }
0x22c: {  	[tilespmem:s24], [sflag:$0xC] =	stream.linear.gather [hbm4b:s22+s3], $0x100, $0x38;
	[tilespmem:$0x11BA0] =	vst v63  }
0x22d: {  	_ =	swait.ge [sflag:s13], $0x4000  }
0x22e: {  	[sflag:s13] =	ssyncset.done $0x0  }
0x22f: {  	[sflag:s13] =	ssyncadd.s32 $0xFFFFC000  }
0x230: {  	_ =	swait.ge [sflag:s19], $0x100  }
0x231: {  	[sflag:s19] =	ssyncset.done $0x0  }
0x232: {  	[sflag:s19] =	ssyncadd.s32 $0xFFFFFF00  }
0x233: {  	_ =	swait.ge [sflag:s19], $0x100  }
0x234: {  	[sflag:s19] =	ssyncset.done $0x0  }
0x235: {  	[sflag:s19] =	ssyncadd.s32 $0xFFFFFF00  }
0x236: {  	_ =	swait.ge [sflag:s19], $0x100  }
.Ltmp7:
0x237: {  	[sflag:s19] =	ssyncset.done $0x0;
	(pc) =	sbr.rel .LBB2_2-.Ltmp7, $4  }
0x238: {  	s25 =	simm.s32 $0x200;
	[sflag:s19] =	ssyncadd.s32 $0xFFFFFF00  }
0x239: {  	[tilespmem:s20], [sflag:$0x3] =	stream.indirect.gather [hbm4b:s2+s15], $0x40, s25, s15, $0xb8;
	[tilespmem:$0x11BA0] =	vst v63  }
0x23a: {  	s26 =	sadd.s32 $0x1, s26;
	s29 =	simm.s32 $0x280;
	s30 =	simm.s32 $0xAC00  }
0x23b: {  	[tilespmem:s30], [sflag:$0x3] =	stream.indirect.gather [hbm4b:s2+s15], $0x40, s29, s15, $0xb8;
	[tilespmem:$0x11BA0] =	vst v63  }
.LBB2_13:
0x23c: {  	_ =	sfence.sel $0x180000  }
0x23d: {  	[bflag:$0x0] =	sbarrier.arrive $0xFFFF  }
0x23e: {  	_ =	strace $0x90000047  }
0x23f: {  	s0 =	stileid.u32;
	[bflag:$0x2] =	sbarrier.arrive $0xFFFF  }
0x240: {  	p0 =	sne.s32 s0, $0x0;
	s0 =	rddreg [dreg:$0x2]  }
0x241: {  	s0 =	sadd.s32 @!p0 $0x100000, s0  }
0x242: {  	[sflag:s0] =	ssyncadd.tile.s32 @!p0 $0x1;
	_ =	shalt  }
.Lfunc_end2:
_tile_overlayer_lowered:
.L_overlay_start_2:
0x243: {  	(tag) =	ssettag $0x2  }
0x244: {  	s0 =	rddreg [dreg:$0x0];
	s2 =	stileid.u32  }
0x245: {  	s1 =	rddreg [dreg:$0x1];
	p0 =	sne.s32 s2, $0x0  }
0x246: {  	s3 =	rddreg [dreg:$0x2];
	[bflag:$0x3] =	sbarrier.arrive $0xFFFF;
	s2 =	simm.s32 @!p0 $0x1C0D  }
0x247: {  	[timem:s3], [sflag:s2] =	dma.local @!p0 [hbm:s0], s1  }
0x248: {  	s0 =	simm.s32 @!p0 $0xD  }
0x249: {  	_ =	swait.ge @!p0 [sflag:s0], s1  }
0x24a: {  	s1 =	ssub.s32 @!p0 $0x0, s1;
	[sflag:s0] =	ssyncset.done @!p0 $0x0  }
0x24b: {  	[sflag:s0] =	ssyncadd.s32 @!p0 s1  }
0x24c: {  	[bflag:$0x3] =	sbarrier.arrive $0xFFFF  }
0x24d: {  	_ =	shalt  }

// kernel: sparse-core-data-format-call.cloned.1.call-start
scs
called_computation_lowered:
.L_overlay_start_0:
0x0: {  	s2 =	sld [smem:$0x3FD9]  }
0x1: {  	s3 =	sld [smem:$0x3FFE];
	_ =	sdelay $0x1  }
0x2: {  	s1 =	srdreg.scid  }
0x3: {  	s0 =	sand.u32 $0x1, s1  }
0x4: {  	s18 =	sshll.u32 s0, $0xA;
	s2 =	sadd.s32 s3, s2  }
0x5: {  	s2 =	sadd.s32 s2, s18  }
0x6: {  	[smem:$0x3FC2] =	sst s2  }
0x7: {  	_ = 	snop  }
0x8: {  	s2 =	sld [smem:$0x3FD0];
	(tm) =	ssettm $0x1  }
0x9: {  	s19 =	sld [smem:$0x3FFB];
	_ =	sdelay $0x3  }
0xa: {  	_ =	strace s19  }
0xb: {  	s3 =	sld [smem:$0x3FFC];
	_ =	sdelay $0x3  }
0xc: {  	_ =	strace s3  }
0xd: {  	s3 =	sld [smem:$0x3FFD];
	_ =	sdelay $0x3  }
0xe: {  	_ =	strace s3  }
0xf: {  	_ =	strace $0x8FFFFFFF  }
0x10: {  	s20 =	sld [smem:$0x3FDB];
	_ =	sdelay $0x1  }
0x11: {  	s4 =	simm.s32 $_scs_section_size  }
0x12: {  	s5 =	simm.s32 $_size__tile_overlayer_lowered;
	s6 =	simm.s32 $_tile_overlayer_lowered  }
0x13: {  	s23 =	simm.s32 $0x1BFF;
	s22 =	sshll.u32 s6, $0x1;
	s3 =	sadd.s32 s4, s20  }
0x14: {  	s7 =	simm.s32 $0x0;
	s21 =	sshll.u32 s5, $0x1;
	s5 =	sadd.s32 s22, s3  }
0x15: {  	[timem:s7], [sflag:s23] =	dma.local [hbm:s5], s21  }
0x16: {  	_ =	swait.ge [sflag:s23], s21  }
0x17: {  	s4 =	ssub.s32 $0x0, s21;
	[sflag:s23] =	ssyncset.done $0x0  }
0x18: {  	[sflag:s23] =	ssyncadd.s32 s4;
	_ =	sdelay $0x1  }
0x19: {  	s24 =	simm.s32 $0x1B8B  }
0x1a: {  	_ =	swait.ge [sflag:s24], $0x1  }
0x1b: {  	[sflag:s24] =	ssyncset.done $0x0  }
0x1c: {  	s26 =	simm.s32 $0x1B8E;
	s25 =	sld [smem:$0x3FFE];
	[sflag:s24] =	ssyncadd.s32 $0xFFFFFFFF  }
0x1d: {  	s27 =	simm.s32 $execute0_lowered;
	[smem:$0x3FD2] =	sst s26  }
0x1e: {  	s5 =	sshll.u32 s27, $0x1;
	_ =	strace $0x80000049;
	[dreg:$0x1] =	wrdreg $0xFFFFFFFF  }
0x1f: {  	s28 =	simm.s32 $_size_execute0_lowered;
	s3 =	sadd.s32 s3, s5;
	[dreg:$0x0] =	wrdreg $0x0  }
0x20: {  	s5 =	sshll.u32 s28, $0x1;
	[dreg:$0x2] =	wrdreg s3  }
0x21: {  	[dreg:$0x3] =	wrdreg s5  }
0x22: {  	[dreg:$0x4] =	wrdreg $0xC0  }
0x23: {  	_ =	task [dreg:s7], $0x5FFFF  }
0x24: {  	[dreg:$0x1] =	wrdreg $0xFFFFFFFF  }
0x25: {  	[dreg:$0x0] =	wrdreg $0x60  }
0x26: {  	[dreg:$0x2] =	wrdreg s25  }
0x27: {  	[dreg:$0x3] =	wrdreg s2  }
0x28: {  	[dreg:$0x4] =	wrdreg $0x9  }
0x29: {  	_ =	task.clear_ibuf [dreg:s7], $0x5FFFF;
	_ =	strace $0x90000049  }
0x2a: {  	s29 =	simm.s32 $0x9;
	_ =	strace $0x8000004B  }
0x2b: {  	_ =	swait.ge [sflag:s29], $0x1  }
0x2c: {  	[sflag:s29] =	ssyncadd.s32 $0xFFFFFFFF  }
0x2d: {  	_ =	strace $0x9000004B  }
0x2e: {  	_ =	sfence  }
0x2f: {  	s30 =	sld [smem:$0x0];
	_ =	sdelay $0x2  }
0x30: {  	s31 =	sshll.u32 s1, $0xD;
	s1 =	sshrl.u32 s1, $0x2  }
0x31: {  	s3 =	sand.u32 $0x4000, s31;
	s1 =	sadd.s32 s1, s30  }
0x32: {  	s0 =	sor.u32 s3, s0;
	s1 =	sshll.u32 s1, $0x11  }
0x33: {  	s0 =	sor.u32 s1, s0  }
0x34: {  	s0 =	sadd.s32 $0x8F2B, s0  }
0x35: {  	[sflag:s0] =	ssyncadd.remote.s32 $0x1  }
0x36: {  	_ =	sfence.sel $0xFFFF  }
0x37: {  	[dreg:$0x0] =	wrdreg $0xFFFFFFFF;
	(pc) =	sbr.abs _section_cstart, $3  }
0x38: {  	[dreg:$0x1] =	wrdreg $0xFFFFFFFF  }
0x39: {  	_ =	task.clear_ibuf [dreg:s7], $0x2FFFF;
	_ =	strace $0x9FFFFFFF  }
0x3a: {  	(tm) =	ssettm $0x7FFFFFFF  }
0x3b: {  	_ =	shalt  }
tec
execute0_lowered:
.L_overlay_start_1:
0x0: {  	(tag) =	ssettag $0x1  }
0x1: {  	s0 =	srdreg.scid  }
0x2: {  	s1 =	sshll.u32 s0, $0x4  }
0x3: {  	s6 =	rddreg [dreg:$0x0];
	s0 =	stileid.u32;
	s1 =	sand.u32 $0x10, s1  }
0x4: {  	s3 =	rddreg [dreg:$0x1];
	s1 =	sor.u32 s0, s1  }
0x5: {  	s5 =	simm.s32 $0x1;
	s31 =	simm.s32 $0x2;
	s2 =	sshll.u32 s1, $0x7  }
0x6: {  	s15 =	simm.s32 $0x0;
	s8 =	simm.s32 $0xC8000;
	s4 =	ssub.s32 $0x1000, s2  }
0x7: {  	s14 =	simm.s32 $0x0;
	s9 =	simm.s32 $0x0;
	s30 =	sand.u32 $0xF80, s4  }
0x8: {  	s10 =	simm.s32 $0x0;
	s11 =	simm.s32 $0x0;
	p0 =	sne.s32 s30, $0x0  }
.Ltmp0:
0x9: {  	s7 =	sshrl.u32 s4, $0xC;
	s5 =	simm.s32 @!p0 $0x0;
	(pc) =	sbr.rel .LBB1_1-.Ltmp0, $4  }
0xa: {  	s13 =	simm.s32 $0x0;
	s1 =	rddreg [dreg:$0x2];
	s5 =	sadd.s32 s5, s7  }
0xb: {  	_ =	strace $0x8000004A;
	s4 =	simm.s32 $0x1;
	s5 =	smul.u32 $0xC8, s5  }
0xc: {  	s6 =	sadd.s32 $0x4D800, s6;
	s12 =	smov.u32 s2;
	[sflag:s4] =	ssyncpa.u1 $0x0  }
0xd: {  	[sflag:s31] =	ssyncpa.u1 $0x0;
	p0 =	por $0x0, $0x0;
	s7 =	sor.u32 $0x1, s5  }
.LBB1_4:
0xe: {  	s18 =	sshll.u32 s9, $0xC;
	s19 =	sand.u32 $0x78, s10;
	s20 =	sshll.u32 s10, $0x3  }
0xf: {  	s22 =	sshll.u32 s9, $0x7;
	p1 =	sgt.s32 s9, $0xC7;
	s25 =	sshra.s32 s9, $0x1F  }
0x10: {  	s23 =	smov.u32 s10;
	s24 =	sshra.s32 s10, $0x1F;
	s29 =	sand.u32 $0x7, s10  }
0x11: {  	s18 =	sand.u32 $0xFFFF8000, s18;
	s21 =	sand.u32 $0xFFFFFC00, s20;
	s20 =	sand.u32 $0xC00, s20  }
0x12: {  	s30 =	sand.u32 $0x380, s22;
	s22 =	sand.u32 s25, s9;
	s18 =	sadd.s32 s21, s18  }
0x13: {  	s19 =	sor.u32 s19, s20;
	s20 =	smov.u32 s9;
	s18 =	sshrl.u32 s18, $0xC  }
0x14: {  	s20 =	simm.s32 @!p1 $0xC7;
	p1 =	sgt.s32 s10, $0xF80;
	s31 =	smulhi.u32 $0x147AE15, s18  }
0x15: {  	s26 =	sand.u32 s24, s10;
	s20 =	ssub.s32 s20, s22;
	s23 =	simm.s32 @!p1 $0xF80  }
0x16: {  	s27 =	ssub.s32 $0xC8, s20;
	s22 =	ssub.s32 s23, s26;
	s21 =	smul.u32 $0xC8, s31  }
0x17: {  	s20 =	sadd.s32 $0xFFFFFF39, s20;
	s23 =	smul.u32 $0x3C, s27;
	s28 =	sadd.s32 $0xFFFFF080, s22  }
0x18: {  	p1 =	sgt.s32 s20, $0x0;
	s20 =	ssub.s32 $0x1000, s22;
	p2 =	sgt.s32 s28, $0x7F  }
0x19: {  	s19 =	sor.u32 s30, s19;
	s23 =	simm.s32 @p1 $0x0;
	s20 =	simm.s32 @p2 $0x0  }
0x1a: {  	[tilespmem:s17+$0x810 ss:$0x81] =	vst.msk $0xffff, v2;
	s19 =	sshrl.u32 s19, $0x3;
	s18 =	ssub.s32 s18, s21;
	s20 =	smul.u32 s20, s23  }
0x1b: {  	[tilespmem:s17+$0x1020 ss:$0x81] =	vst.msk $0xffff, v0;
	s19 =	sadd.s32 s3, s19;
	s21 =	sshll.u32 s29, $0x12;
	s18 =	sshll.u32 s18, $0x9  }
0x1c: {  	[tilespmem:s17+$0x0 ss:$0x81] =	vst.msk $0xffff, v1;
	s31 =	sor.u32 $0x80, s21;
	s18 =	sadd.s32 s18, s19;
	s30 =	sand.u32 $0x3FFFFFFC, s20  }
0x1d: {  	[hbm4b:s18+s31] =	stream.strided.scatter [tilespmem:s16], [sflag:$0x2], s30, s8, s31, $0x20;
	[tilespmem:$0x8080] =	vst v63  }
.LBB1_5:
0x1e: {  	p1 =	slt.u32 s13, $0x2  }
0x1f: {  	s17 =	smov.u32 s15;
	p2 =	sgt.s32 @!p1 s15, $0xC7;
	s16 =	sshra.s32 @!p1 s15, $0x1F  }
0x20: {  	p3 =	sgt.s32 @!p1 s14, $0xF80;
	s18 =	sshra.s32 @!p1 s14, $0x1F;
	p2 =	por !p2, p1  }
0x21: {  	s15 =	sand.u32 @!p1 s16, s15;
	p3 =	por !p3, p1;
	s16 =	smov.u32 s14  }
0x22: {  	s14 =	sand.u32 @!p1 s18, s14;
	s17 =	simm.s32 @p2 $0xC7;
	s16 =	simm.s32 @p3 $0xF80  }
0x23: {  	s18 =	smov.u32 s12;
	s15 =	ssub.s32 @!p1 s17, s15;
	s14 =	ssub.s32 @!p1 s16, s14  }
0x24: {  	s16 =	sadd.s32 @!p1 $0xFFFFFF39, s15;
	s15 =	ssub.s32 @!p1 $0xC8, s15;
	s17 =	sadd.s32 @!p1 $0xFFFFF080, s14  }
0x25: {  	p2 =	sgt.s32 @!p1 s16, $0x0;
	s15 =	smul.u32 @!p1 $0x3C, s15;
	p3 =	sgt.s32 @!p1 s17, $0x7F  }
0x26: {  	s14 =	ssub.s32 @!p1 $0x1000, s14;
	p2 =	por !p2, p1;
	p3 =	por !p3, p1  }
0x27: {  	s16 =	sadd.s32 $0x1, s11;
	s15 =	simm.s32 @!p2 $0x0;
	s14 =	simm.s32 @!p3 $0x0  }
0x28: {  	p2 =	sgt.s32 s16, $0xC7;
	s14 =	smul.u32 @!p1 s14, s15;
	s15 =	sadd.s32 $0x1000, s12  }
0x29: {  	s18 =	smov.u32 @p2 s15  }
0x2a: {  	s16 =	simm.s32 @p2 $0x0;
	p2 =	sgt.s32 s18, $0xFFF  }
0x2b: {  	s18 =	smov.u32 @p2 s2;
	p2 =	sne.s32 s13, s7  }
.Ltmp1:
0x2c: {  	p0 =	por !p0, !p0;
	s17 =	simm.s32 @!p1 $0x2;
	(pc) =	sbr.rel @!p2 .LBB1_6-.Ltmp1, $4  }
0x2d: {  	s15 =	smov.u32 s9;
	s9 =	smov.u32 s11;
	s14 =	sand.u32 @!p1 $0x3FFFFFFC, s14  }
0x2e: {  	s11 =	smov.u32 s16;
	_ =	swait.ge @!p1 [sflag:s17], s14;
	s19 =	ssub.s32 @!p1 $0x0, s14  }
0x2f: {  	s14 =	smov.u32 s10;
	s13 =	sadd.s32 $0x1, s13;
	[sflag:s17] =	ssyncset.done @!p1 $0x0  }
0x30: {  	s10 =	smov.u32 s12;
	s12 =	smov.u32 s18;
	[sflag:s17] =	ssyncadd.s32 @!p1 s19  }
.LBB1_1:
0x31: {  	p1 =	sge.u32 s13, s5  }
0x32: {  	s16 =	sand.u32 @!p1 $0x1FFFFFF, s11  }
0x33: {  	s17 =	smulhi.u32 @!p1 $0x147AE15, s16;
	_ =	sdelay $0x1  }
0x34: {  	s17 =	smul.u32 @!p1 $0xC8, s17  }
0x35: {  	s18 =	sxor.u32 @!p1 $0xFFFFFFFF, s13;
	s19 =	smul.u32 @!p1 $0xC80, s12  }
0x36: {  	s31 =	sadd.s32 $0xFFFFFFFF, s13;
	s18 =	sshll.u32 @!p1 s18, $0xD;
	s16 =	ssub.s32 @!p1 s16, s17  }
0x37: {  	s17 =	sand.u32 @!p1 $0x2000, s18;
	s18 =	sadd.s32 @!p1 s6, s19;
	s16 =	sshll.u32 @!p1 s16, $0x4  }
0x38: {  	s19 =	simm.s32 @!p1 $0x6400;
	s16 =	sadd.s32 @!p1 s16, s18;
	s18 =	simm.s32 @!p1 $0x40  }
0x39: {  	[tilespmem:s17], [sflag:$0x1] =	stream.strided.gather @!p1 [hbm4b:s16+s18], $0x2000, s19, s18, $0x38;
	[tilespmem:$0x8080] =	vst v63  }
0x3a: {  	p1 =	sge.u32 s31, s5  }
.Ltmp2:
0x3b: {  	_ = 	snop;
	(pc) =	sbr.rel @p1 .LBB1_5-.Ltmp2, $1  }
0x3c: {  	_ =	sdelay $0x3  }
0x3d: {  	s16 =	simm.s32 $0x1  }
0x3e: {  	_ =	swait.ge [sflag:s4], $0x2000;
	s16 =	simm.s32 @!p0 $0x0  }
0x3f: {  	[sflag:s4] =	ssyncset.done $0x0;
	s17 =	sshll.u32 s16, $0xD  }
0x40: {  	[sflag:s4] =	ssyncadd.s32 $0xFFFFE000;
	s20 =	sor.u32 $0x20, s17  }
0x41: {  	s16 =	smul.u32 $0x8100, s16;
	v3 =	vld [tilespmem:s20+$0x10]  }
0x42: {  	s30 =	sand.u32 $0x1, s13;
	v2 =	vld [tilespmem:s20+$0xFFFFFFF0]  }
0x43: {  	s17 =	smul.u32 $0x8100, s30;
	s16 =	sshrl.u32 s16, $0x2;
	v0 =	vld [tilespmem:s20+$0x0]  }
0x44: {  	v1 =	vld [tilespmem:s20+$0xFFFFFFE0];
	s18 =	sor.u32 $0x4000, s16  }
0x45: {  	s31 =	sshrl.u32 s17, $0x2;
	s17 =	sadd.s32 $0x0, s18  }
0x46: {  	s19 =	simm.s32 $0x4;
	s20 =	sadd.s32 $0x40, s20;
	s16 =	sor.u32 $0x4000, s31;
	[tilespmem:s17+$0x1830 ss:$0x81] =	vst.msk $0xffff, v3  }
.LBB1_3:
0x47: {  	v3 =	vld [tilespmem:s20+$0x10];
	p1 =	sne.s32 s19, $0x1FC;
	[tilespmem:s17+$0x810 ss:$0x81] =	vst.msk $0xffff, v2;
	s21 =	smov.u32 s19;
	s19 =	sadd.s32 $0x4, s19  }
.Ltmp3:
0x48: {  	v2 =	vld [tilespmem:s20+$0xFFFFFFF0];
	[tilespmem:s17+$0x1020 ss:$0x81] =	vst.msk $0xffff, v0;
	(pc) =	sbr.rel @p1 .LBB1_3-.Ltmp3, $4  }
0x49: {  	v0 =	vld [tilespmem:s20+$0x0];
	[tilespmem:s17+$0x0 ss:$0x81] =	vst.msk $0xffff, v1  }
0x4a: {  	s17 =	sshra.s32 s21, $0x2;
	v1 =	vld [tilespmem:s20+$0xFFFFFFE0]  }
0x4b: {  	s17 =	sadd.s32 s17, s18  }
0x4c: {  	s20 =	sadd.s32 $0x40, s20;
	[tilespmem:s17+$0x1830 ss:$0x81] =	vst.msk $0xffff, v3  }
.Ltmp4:
0x4d: {  	_ = 	snop;
	(pc) =	sbr.rel .LBB1_4-.Ltmp4, $1  }
0x4e: {  	_ =	sdelay $0x3  }
.LBB1_6:
0x4f: {  	_ =	sfence.sel $0x180000  }
0x50: {  	s2 =	simm.s32 $0x1;
	[bflag:$0x0] =	sbarrier.arrive $0xFFFF  }
0x51: {  	s31 =	simm.s32 $0x2;
	[sflag:s2] =	ssyncpa.u1 $0x1  }
0x52: {  	[sflag:s31] =	ssyncpa.u1 $0x1  }
0x53: {  	p0 =	sne.s32 s0, $0x0;
	_ =	strace $0x9000004A  }
0x54: {  	s0 =	sadd.s32 @!p0 $0x100000, s1;
	[bflag:$0x2] =	sbarrier.arrive $0xFFFF  }
0x55: {  	[sflag:s0] =	ssyncadd.tile.s32 @!p0 $0x1;
	_ =	shalt  }
.Lfunc_end1:
_tile_overlayer_lowered:
.L_overlay_start_2:
0x56: {  	(tag) =	ssettag $0x2  }
0x57: {  	s0 =	rddreg [dreg:$0x0];
	s2 =	stileid.u32  }
0x58: {  	s1 =	rddreg [dreg:$0x1];
	p0 =	sne.s32 s2, $0x0  }
0x59: {  	s3 =	rddreg [dreg:$0x2];
	[bflag:$0x3] =	sbarrier.arrive $0xFFFF;
	s2 =	simm.s32 @!p0 $0x1C01  }
0x5a: {  	[timem:s3], [sflag:s2] =	dma.local @!p0 [hbm:s0], s1  }
0x5b: {  	s0 =	simm.s32 @!p0 $0x1  }
0x5c: {  	_ =	swait.ge @!p0 [sflag:s0], s1  }
0x5d: {  	s1 =	ssub.s32 @!p0 $0x0, s1;
	[sflag:s0] =	ssyncset.done @!p0 $0x0  }
0x5e: {  	[sflag:s0] =	ssyncadd.s32 @!p0 s1  }
0x5f: {  	[bflag:$0x3] =	sbarrier.arrive $0xFFFF  }
0x60: {  	_ =	shalt  }

</sc_bundles>
